<compile_context>
chip_gen: v7x
topology: tpu7x:2x2x1
jax: 0.10.2.dev20260603
libtpu: 0.0.44.dev20260713+nightly
codegen_flags: <defaults>
</compile_context>

<pallas_src>
import functools

import jax
import jax.numpy as jnp
from jax import lax
from jax.experimental import pallas as pl
from jax.experimental.pallas import tpu as pltpu
from jax.experimental.pallas import tpu_sc as plsc

_N_SEG = 10000
_N = 320000
_D = 128

_NC = 2
_NS = 16
_NW = _NC * _NS
_ROWS_PER_TILE = _N // _NW
_CHUNK = 128
_NFULL = _ROWS_PER_TILE // _CHUNK
_TAIL = _ROWS_PER_TILE - _NFULL * _CHUNK
_OUT_ROWS_PER_TILE = 624
_OUT_REMAINDER = _N_SEG - _NS * _OUT_ROWS_PER_TILE


_mesh = plsc.VectorSubcoreMesh(core_axis_name="c", subcore_axis_name="s")


@functools.partial(
    pl.kernel,
    mesh=_mesh,
    out_type=jax.ShapeDtypeStruct((_NC, _N_SEG, _D), jnp.float32),
    scratch_types=[
        pltpu.VMEM((_CHUNK,), jnp.int32),
        pltpu.VMEM((_CHUNK,), jnp.int32),
        pltpu.VMEM((_TAIL,), jnp.int32),
        pltpu.VMEM((_CHUNK, _D), jnp.float32),
        pltpu.VMEM((_CHUNK, _D), jnp.float32),
        pltpu.VMEM((_CHUNK, _D), jnp.float32),
        pltpu.SemaphoreType.DMA,
        pltpu.SemaphoreType.DMA,
        pltpu.SemaphoreType.DMA,
        pltpu.SemaphoreType.DMA,
        pltpu.VMEM_SHARED((_N_SEG, _D), jnp.float32),
    ],
)
def _seg_partials(v_hbm, batch_hbm, u_hbm, part_hbm,
                  idx0, idx1, idx_t,
                  rows0, rows1, rows2,
                  in0, in1, sc0, sc1, acc_sh):
    c = lax.axis_index("c")
    s = lax.axis_index("s")
    wid = s * _NC + c
    idx = (idx0, idx1)
    rows = (rows0, rows1)
    sem_in = (in0, in1)
    sem_sc = (sc0, sc1)

    base0 = wid * _ROWS_PER_TILE

    def _load(i, b):
        base = pl.multiple_of(base0 + i * _CHUNK, 8)
        pltpu.async_copy(batch_hbm.at[pl.ds(base, _CHUNK)], idx[b], sem_in[b])
        pltpu.async_copy(v_hbm.at[pl.ds(base, _CHUNK)], rows[b], sem_in[b])

    def _wait_load(i, b):
        base = pl.multiple_of(base0 + i * _CHUNK, 8)
        pltpu.make_async_copy(
            batch_hbm.at[pl.ds(base, _CHUNK)], idx[b], sem_in[b]).wait()
        pltpu.make_async_copy(
            v_hbm.at[pl.ds(base, _CHUNK)], rows[b], sem_in[b]).wait()

    _load(0, 0)
    _load(1, 1)

    zbase = pl.multiple_of(s * _OUT_ROWS_PER_TILE, 8)

    @pl.when(c == 0)
    def _seed_u():
        pltpu.sync_copy(u_hbm.at[pl.ds(zbase, _OUT_ROWS_PER_TILE)],
                        acc_sh.at[pl.ds(zbase, _OUT_ROWS_PER_TILE)])

        @pl.when(s == _NS - 1)
        def _seed_u_tail():
            pltpu.sync_copy(
                u_hbm.at[pl.ds(_NS * _OUT_ROWS_PER_TILE, _OUT_REMAINDER)],
                acc_sh.at[pl.ds(_NS * _OUT_ROWS_PER_TILE, _OUT_REMAINDER)],
            )

    @pl.when(c == 1)
    def _seed_zero():
        def _zfill(i, carry):
            for j in range(_D // 16):
                rows2[i, pl.ds(j * 16, 16)] = jnp.zeros((16,), jnp.float32)
            return carry

        lax.fori_loop(0, _CHUNK, _zfill, 0)
        pltpu.sync_copy(rows2, acc_sh.at[pl.ds(zbase, _CHUNK)])
        pltpu.sync_copy(rows2, acc_sh.at[pl.ds(zbase + _CHUNK, _CHUNK)])
        pltpu.sync_copy(rows2, acc_sh.at[pl.ds(zbase + 2 * _CHUNK, _CHUNK)])
        pltpu.sync_copy(rows2, acc_sh.at[pl.ds(zbase + 3 * _CHUNK, _CHUNK)])
        pltpu.sync_copy(
            rows2.at[pl.ds(0, _OUT_ROWS_PER_TILE - 4 * _CHUNK)],
            acc_sh.at[pl.ds(zbase + 4 * _CHUNK,
                            _OUT_ROWS_PER_TILE - 4 * _CHUNK)],
        )

        @pl.when(s == _NS - 1)
        def _zero_tail():
            pltpu.sync_copy(
                rows2.at[pl.ds(0, _OUT_REMAINDER)],
                acc_sh.at[pl.ds(_NS * _OUT_ROWS_PER_TILE, _OUT_REMAINDER)],
            )

    plsc.subcore_barrier()

    def _step(i, b):
        _wait_load(i, b)
        pltpu.async_copy(rows[b], acc_sh.at[idx[b]], sem_sc[b],
                         add=True).wait()

        @pl.when(i + 2 < _NFULL)
        def _prefetch():
            _load(i + 2, b)

    def _outer(i2, carry):
        for b in range(2):
            _step(i2 * 2 + b, b)
        return carry

    lax.fori_loop(0, _NFULL // 2, _outer, 0)

    tbase = pl.multiple_of(base0 + _NFULL * _CHUNK, 8)
    pltpu.sync_copy(batch_hbm.at[pl.ds(tbase, _TAIL)], idx_t)
    pltpu.sync_copy(v_hbm.at[pl.ds(tbase, _TAIL)], rows0.at[pl.ds(0, _TAIL)])
    pltpu.sync_copy(rows0.at[pl.ds(0, _TAIL)], acc_sh.at[idx_t], add=True)

    plsc.subcore_barrier()

    obase = pl.multiple_of(s * _OUT_ROWS_PER_TILE, 8)
    pltpu.sync_copy(
        acc_sh.at[pl.ds(obase, _OUT_ROWS_PER_TILE)],
        part_hbm.at[c, pl.ds(obase, _OUT_ROWS_PER_TILE)],
    )

    @pl.when(s == _NS - 1)
    def _write_tail():
        pltpu.sync_copy(
            acc_sh.at[pl.ds(_NS * _OUT_ROWS_PER_TILE, _OUT_REMAINDER)],
            part_hbm.at[c, pl.ds(_NS * _OUT_ROWS_PER_TILE, _OUT_REMAINDER)],
        )


_BLK = 5000


def _combine_body(p_ref, o_ref):
    o_ref[...] = p_ref[0] + p_ref[1]


def kernel(u, v, batch):
    part = _seg_partials(v, batch, u)
    out = pl.pallas_call(
        _combine_body,
        grid=(_N_SEG // _BLK,),
        in_specs=[
            pl.BlockSpec((2, _BLK, _D), lambda i: (0, i, 0)),
        ],
        out_specs=pl.BlockSpec((_BLK, _D), lambda i: (i, 0)),
        out_shape=jax.ShapeDtypeStruct((_N_SEG, _D), jnp.float32),
    )(part)
    return out

# --- scband reference (transcript-rebuilt; emitter-appended) ---
"""Pipeline reference for scband-graph-model-71983651881550 (READ-ONLY COPY).

The authoritative reference and input builder live on the scoring server;
editing this copy changes nothing except your own understanding.
"""

import jax, jax.numpy as jnp
import numpy as np

N_SEG = 10000
N = 320000
D = 128

def setup_inputs(seed: int = 0) -> dict:
    key = jax.random.key(seed)
    k1, k2, k3 = jax.random.split(key, 3)
    u = jax.random.normal(k1, (N_SEG, D), dtype=jnp.float32)
    v = jax.random.normal(k2, (N, D), dtype=jnp.float32)
    batch = jnp.sort(jax.random.randint(k3, (N,), 0, N_SEG, dtype=jnp.int32))
    return {"u": u, "v": v, "batch": batch}

def reference(u, v, batch):
    # scatter(v, batch, dim=0) with default 'sum' reduce -> segment_sum
    seg = jax.ops.segment_sum(v, batch, num_segments=N_SEG)
    return u + seg

if __name__ == "__main__":
    import jax
    _d = setup_inputs()
    print(jax.jit(kernel)(*tuple(_d.values())))

</pallas_src>

<mosaic_0001>
#map = affine_map<(d0, d1) -> (0, 0)>
#map1 = affine_map<(d0, d1) -> (0)>
#map2 = affine_map<(d0, d1) -> (0, 0, 0)>
module attributes {stable_mosaic.version = 14 : i64} {
  func.func @_seg_partials(%arg0: i32, %arg1: i32, %arg2: memref<320000x128xf32, #tpu.memory_space<hbm>>, %arg3: memref<320000xi32, #tpu.memory_space<hbm>>, %arg4: memref<10000x128xf32, #tpu.memory_space<hbm>>, %arg5: memref<2x10000x128xf32, #tpu.memory_space<hbm>>, %arg6: memref<128xi32, #tpu.memory_space<vmem>>, %arg7: memref<128xi32, #tpu.memory_space<vmem>>, %arg8: memref<16xi32, #tpu.memory_space<vmem>>, %arg9: memref<128x128xf32, #tpu.memory_space<vmem>>, %arg10: memref<128x128xf32, #tpu.memory_space<vmem>>, %arg11: memref<128x128xf32, #tpu.memory_space<vmem>>, %arg12: memref<!tpu.dma_semaphore, #tpu.memory_space<semaphore_mem>>, %arg13: memref<!tpu.dma_semaphore, #tpu.memory_space<semaphore_mem>>, %arg14: memref<!tpu.dma_semaphore, #tpu.memory_space<semaphore_mem>>, %arg15: memref<!tpu.dma_semaphore, #tpu.memory_space<semaphore_mem>>, %arg16: memref<10000x128xf32, #tpu.memory_space<vmem_shared>>) attributes {dimension_semantics = [#tpu.dimension_semantics<core_parallel>, #tpu.dimension_semantics<subcore_parallel>], iteration_bounds = array<i64: 2, 16>, scalar_prefetch = 0 : i64, scratch_operands = 11 : i64, tpu.core_type = #tpu.core_type<sc_vector_subcore>, window_params = [{transform_indices = #map}, {transform_indices = #map1}, {transform_indices = #map}, {transform_indices = #map2}]} {
    %mul3A = arith.constant 2 : i32
    %mul3A_0 = arith.muli %arg1, %mul3A : i32
    %add3A = arith.addi %mul3A_0, %arg0 : i32
    %mul3A_1 = arith.constant 10000 : i32
    %mul3A_2 = arith.muli %add3A, %mul3A_1 : i32
    %add3A_3 = arith.constant 0 : i32
    %add3A_4 = arith.addi %mul3A_2, %add3A_3 : i32
    %multiple_of3A = tpu.assume_multiple %add3A_4, 8 : i32
    %dma_start3A = tpu.memref_slice %arg3[%multiple_of3A] : memref<320000xi32, #tpu.memory_space<hbm>> -> memref<128xi32, #tpu.memory_space<hbm>>
    %dma_start3A_5 = tpu.memref_slice %arg3[%multiple_of3A] : memref<320000xi32, #tpu.memory_space<hbm>> -> memref<128xi32, #tpu.memory_space<hbm>>
    tpu.enqueue_dma source(%dma_start3A_5 : memref<128xi32, #tpu.memory_space<hbm>>) target(%arg6 : memref<128xi32, #tpu.memory_space<vmem>>) target_semaphore(%arg12 : memref<!tpu.dma_semaphore, #tpu.memory_space<semaphore_mem>>)
    %dma_start3A_6 = arith.constant 0 : i32
    %dma_start3A_7 = tpu.memref_slice %arg2[%multiple_of3A, %dma_start3A_6] : memref<320000x128xf32, #tpu.memory_space<hbm>> -> memref<128x128xf32, #tpu.memory_space<hbm>>
    %dma_start3A_8 = arith.constant 0 : i32
    %dma_start3A_9 = tpu.memref_slice %arg2[%multiple_of3A, %dma_start3A_8] : memref<320000x128xf32, #tpu.memory_space<hbm>> -> memref<128x128xf32, #tpu.memory_space<hbm>>
    tpu.enqueue_dma source(%dma_start3A_9 : memref<128x128xf32, #tpu.memory_space<hbm>>) target(%arg9 : memref<128x128xf32, #tpu.memory_space<vmem>>) target_semaphore(%arg12 : memref<!tpu.dma_semaphore, #tpu.memory_space<semaphore_mem>>)
    %add3A_10 = arith.constant 128 : i32
    %add3A_11 = arith.addi %mul3A_2, %add3A_10 : i32
    %multiple_of3A_12 = tpu.assume_multiple %add3A_11, 8 : i32
    %dma_start3A_13 = tpu.memref_slice %arg3[%multiple_of3A_12] : memref<320000xi32, #tpu.memory_space<hbm>> -> memref<128xi32, #tpu.memory_space<hbm>>
    %dma_start3A_14 = tpu.memref_slice %arg3[%multiple_of3A_12] : memref<320000xi32, #tpu.memory_space<hbm>> -> memref<128xi32, #tpu.memory_space<hbm>>
    tpu.enqueue_dma source(%dma_start3A_14 : memref<128xi32, #tpu.memory_space<hbm>>) target(%arg7 : memref<128xi32, #tpu.memory_space<vmem>>) target_semaphore(%arg13 : memref<!tpu.dma_semaphore, #tpu.memory_space<semaphore_mem>>)
    %dma_start3A_15 = arith.constant 0 : i32
    %dma_start3A_16 = tpu.memref_slice %arg2[%multiple_of3A_12, %dma_start3A_15] : memref<320000x128xf32, #tpu.memory_space<hbm>> -> memref<128x128xf32, #tpu.memory_space<hbm>>
    %dma_start3A_17 = arith.constant 0 : i32
    %dma_start3A_18 = tpu.memref_slice %arg2[%multiple_of3A_12, %dma_start3A_17] : memref<320000x128xf32, #tpu.memory_space<hbm>> -> memref<128x128xf32, #tpu.memory_space<hbm>>
    tpu.enqueue_dma source(%dma_start3A_18 : memref<128x128xf32, #tpu.memory_space<hbm>>) target(%arg10 : memref<128x128xf32, #tpu.memory_space<vmem>>) target_semaphore(%arg13 : memref<!tpu.dma_semaphore, #tpu.memory_space<semaphore_mem>>)
    %mul3A_19 = arith.constant 624 : i32
    %mul3A_20 = arith.muli %arg1, %mul3A_19 : i32
    %multiple_of3A_21 = tpu.assume_multiple %mul3A_20, 8 : i32
    %eq3A = arith.constant 0 : i32
    %eq3A_22 = arith.cmpi eq, %arg0, %eq3A : i32
    %convert_element_type3A = arith.extui %eq3A_22 : i1 to i32
    %cond3A = arith.constant 0 : i32
    %cond3A_23 = arith.cmpi ne, %convert_element_type3A, %cond3A : i32
    scf.if %cond3A_23 {
      "tpu.region"() ({
        %run_scoped3A = tpu.sem_alloc : memref<!tpu.dma_semaphore, #tpu.memory_space<semaphore_mem>>
        %dma_start3A_51 = arith.constant 0 : i32
        %dma_start3A_52 = tpu.memref_slice %arg16[%multiple_of3A_21, %dma_start3A_51] : memref<10000x128xf32, #tpu.memory_space<vmem_shared>> -> memref<624x128xf32, #tpu.memory_space<vmem_shared>>
        %dma_start3A_53 = arith.constant 0 : i32
        %dma_start3A_54 = tpu.memref_slice %arg4[%multiple_of3A_21, %dma_start3A_53] : memref<10000x128xf32, #tpu.memory_space<hbm>> -> memref<624x128xf32, #tpu.memory_space<hbm>>
        tpu.enqueue_dma source(%dma_start3A_54 : memref<624x128xf32, #tpu.memory_space<hbm>>) target(%dma_start3A_52 : memref<624x128xf32, #tpu.memory_space<vmem_shared>>) target_semaphore(%run_scoped3A : memref<!tpu.dma_semaphore, #tpu.memory_space<semaphore_mem>>)
        %dma_wait3A = arith.constant 0 : i32
        %dma_wait3A_55 = tpu.memref_slice %arg16[%multiple_of3A_21, %dma_wait3A] : memref<10000x128xf32, #tpu.memory_space<vmem_shared>> -> memref<624x128xf32, #tpu.memory_space<vmem_shared>>
        %dma_wait3A_56 = arith.constant 0 : i32
        %dma_wait3A_57 = tpu.memref_slice %arg4[%multiple_of3A_21, %dma_wait3A_56] : memref<10000x128xf32, #tpu.memory_space<hbm>> -> memref<624x128xf32, #tpu.memory_space<hbm>>
        tpu.wait_dma2 semaphore(%run_scoped3A : memref<!tpu.dma_semaphore, #tpu.memory_space<semaphore_mem>>) src(%dma_wait3A_57 : memref<624x128xf32, #tpu.memory_space<hbm>>) dst(%dma_wait3A_55 : memref<624x128xf32, #tpu.memory_space<vmem_shared>>)
        tpu.yield
      }) : () -> ()
      %eq3A_46 = arith.constant 15 : i32
      %eq3A_47 = arith.cmpi eq, %arg1, %eq3A_46 : i32
      %convert_element_type3A_48 = arith.extui %eq3A_47 : i1 to i32
      %cond3A_49 = arith.constant 0 : i32
      %cond3A_50 = arith.cmpi ne, %convert_element_type3A_48, %cond3A_49 : i32
      scf.if %cond3A_50 {
        "tpu.region"() ({
          %run_scoped3A = tpu.sem_alloc : memref<!tpu.dma_semaphore, #tpu.memory_space<semaphore_mem>>
          %dma_start3A_51 = arith.constant 9984 : i32
          %dma_start3A_52 = arith.constant 0 : i32
          %dma_start3A_53 = tpu.memref_slice %arg16[%dma_start3A_51, %dma_start3A_52] : memref<10000x128xf32, #tpu.memory_space<vmem_shared>> -> memref<16x128xf32, #tpu.memory_space<vmem_shared>>
          %dma_start3A_54 = arith.constant 9984 : i32
          %dma_start3A_55 = arith.constant 0 : i32
          %dma_start3A_56 = tpu.memref_slice %arg4[%dma_start3A_54, %dma_start3A_55] : memref<10000x128xf32, #tpu.memory_space<hbm>> -> memref<16x128xf32, #tpu.memory_space<hbm>>
          tpu.enqueue_dma source(%dma_start3A_56 : memref<16x128xf32, #tpu.memory_space<hbm>>) target(%dma_start3A_53 : memref<16x128xf32, #tpu.memory_space<vmem_shared>>) target_semaphore(%run_scoped3A : memref<!tpu.dma_semaphore, #tpu.memory_space<semaphore_mem>>)
          %dma_wait3A = arith.constant 9984 : i32
          %dma_wait3A_57 = arith.constant 0 : i32
          %dma_wait3A_58 = tpu.memref_slice %arg16[%dma_wait3A, %dma_wait3A_57] : memref<10000x128xf32, #tpu.memory_space<vmem_shared>> -> memref<16x128xf32, #tpu.memory_space<vmem_shared>>
          %dma_wait3A_59 = arith.constant 9984 : i32
          %dma_wait3A_60 = arith.constant 0 : i32
          %dma_wait3A_61 = tpu.memref_slice %arg4[%dma_wait3A_59, %dma_wait3A_60] : memref<10000x128xf32, #tpu.memory_space<hbm>> -> memref<16x128xf32, #tpu.memory_space<hbm>>
          tpu.wait_dma2 semaphore(%run_scoped3A : memref<!tpu.dma_semaphore, #tpu.memory_space<semaphore_mem>>) src(%dma_wait3A_61 : memref<16x128xf32, #tpu.memory_space<hbm>>) dst(%dma_wait3A_58 : memref<16x128xf32, #tpu.memory_space<vmem_shared>>)
          tpu.yield
        }) : () -> ()
      } else {
      }
    } else {
    }
    %eq3A_24 = arith.constant 1 : i32
    %eq3A_25 = arith.cmpi eq, %arg0, %eq3A_24 : i32
    %convert_element_type3A_26 = arith.extui %eq3A_25 : i1 to i32
    %cond3A_27 = arith.constant 0 : i32
    %cond3A_28 = arith.cmpi ne, %convert_element_type3A_26, %cond3A_27 : i32
    scf.if %cond3A_28 {
      %scan3A_46 = arith.constant 0 : i32
      %scan3A_47 = arith.constant 0 : i32
      %scan3A_48 = arith.constant 128 : i32
      %scan3A_49 = arith.addi %scan3A_47, %scan3A_48 : i32
      %scan3A_50 = arith.constant 1 : i32
      scf.for %scan3A_65 = %scan3A_47 to %scan3A_49 step %scan3A_50  : i32 {
        %broadcast_in_dim3A = arith.constant 0.000000e+00 : f32
        %broadcast_in_dim3A_66 = vector.broadcast %broadcast_in_dim3A : f32 to vector<16xf32>
        %swap3A = arith.index_cast %scan3A_65 : i32 to index
        %swap3A_67 = arith.constant 0 : index
        %swap3A_68 = tpu.vector_load %arg11[%swap3A, %swap3A_67] {strides = array<i32>} : memref<128x128xf32, #tpu.memory_space<vmem>>, vector<1x16xf32>,
        %swap3A_69 = vector.shape_cast %swap3A_68 : vector<1x16xf32> to vector<16xf32>
        %swap3A_70 = vector.shape_cast %broadcast_in_dim3A_66 : vector<16xf32> to vector<1x16xf32>
        tpu.vector_store %arg11[%swap3A, %swap3A_67], %swap3A_70 {strides = array<i32>} : memref<128x128xf32, #tpu.memory_space<vmem>>, vector<1x16xf32>,
        %broadcast_in_dim3A_71 = arith.constant 0.000000e+00 : f32
        %broadcast_in_dim3A_72 = vector.broadcast %broadcast_in_dim3A_71 : f32 to vector<16xf32>
        %swap3A_73 = arith.index_cast %scan3A_65 : i32 to index
        %swap3A_74 = arith.constant 16 : index
        %swap3A_75 = tpu.vector_load %arg11[%swap3A_73, %swap3A_74] {strides = array<i32>} : memref<128x128xf32, #tpu.memory_space<vmem>>, vector<1x16xf32>,
        %swap3A_76 = vector.shape_cast %swap3A_75 : vector<1x16xf32> to vector<16xf32>
        %swap3A_77 = vector.shape_cast %broadcast_in_dim3A_72 : vector<16xf32> to vector<1x16xf32>
        tpu.vector_store %arg11[%swap3A_73, %swap3A_74], %swap3A_77 {strides = array<i32>} : memref<128x128xf32, #tpu.memory_space<vmem>>, vector<1x16xf32>,
        %broadcast_in_dim3A_78 = arith.constant 0.000000e+00 : f32
        %broadcast_in_dim3A_79 = vector.broadcast %broadcast_in_dim3A_78 : f32 to vector<16xf32>
        %swap3A_80 = arith.index_cast %scan3A_65 : i32 to index
        %swap3A_81 = arith.constant 32 : index
        %swap3A_82 = tpu.vector_load %arg11[%swap3A_80, %swap3A_81] {strides = array<i32>} : memref<128x128xf32, #tpu.memory_space<vmem>>, vector<1x16xf32>,
        %swap3A_83 = vector.shape_cast %swap3A_82 : vector<1x16xf32> to vector<16xf32>
        %swap3A_84 = vector.shape_cast %broadcast_in_dim3A_79 : vector<16xf32> to vector<1x16xf32>
        tpu.vector_store %arg11[%swap3A_80, %swap3A_81], %swap3A_84 {strides = array<i32>} : memref<128x128xf32, #tpu.memory_space<vmem>>, vector<1x16xf32>,
        %broadcast_in_dim3A_85 = arith.constant 0.000000e+00 : f32
        %broadcast_in_dim3A_86 = vector.broadcast %broadcast_in_dim3A_85 : f32 to vector<16xf32>
        %swap3A_87 = arith.index_cast %scan3A_65 : i32 to index
        %swap3A_88 = arith.constant 48 : index
        %swap3A_89 = tpu.vector_load %arg11[%swap3A_87, %swap3A_88] {strides = array<i32>} : memref<128x128xf32, #tpu.memory_space<vmem>>, vector<1x16xf32>,
        %swap3A_90 = vector.shape_cast %swap3A_89 : vector<1x16xf32> to vector<16xf32>
        %swap3A_91 = vector.shape_cast %broadcast_in_dim3A_86 : vector<16xf32> to vector<1x16xf32>
        tpu.vector_store %arg11[%swap3A_87, %swap3A_88], %swap3A_91 {strides = array<i32>} : memref<128x128xf32, #tpu.memory_space<vmem>>, vector<1x16xf32>,
        %broadcast_in_dim3A_92 = arith.constant 0.000000e+00 : f32
        %broadcast_in_dim3A_93 = vector.broadcast %broadcast_in_dim3A_92 : f32 to vector<16xf32>
        %swap3A_94 = arith.index_cast %scan3A_65 : i32 to index
        %swap3A_95 = arith.constant 64 : index
        %swap3A_96 = tpu.vector_load %arg11[%swap3A_94, %swap3A_95] {strides = array<i32>} : memref<128x128xf32, #tpu.memory_space<vmem>>, vector<1x16xf32>,
        %swap3A_97 = vector.shape_cast %swap3A_96 : vector<1x16xf32> to vector<16xf32>
        %swap3A_98 = vector.shape_cast %broadcast_in_dim3A_93 : vector<16xf32> to vector<1x16xf32>
        tpu.vector_store %arg11[%swap3A_94, %swap3A_95], %swap3A_98 {strides = array<i32>} : memref<128x128xf32, #tpu.memory_space<vmem>>, vector<1x16xf32>,
        %broadcast_in_dim3A_99 = arith.constant 0.000000e+00 : f32
        %broadcast_in_dim3A_100 = vector.broadcast %broadcast_in_dim3A_99 : f32 to vector<16xf32>
        %swap3A_101 = arith.index_cast %scan3A_65 : i32 to index
        %swap3A_102 = arith.constant 80 : index
        %swap3A_103 = tpu.vector_load %arg11[%swap3A_101, %swap3A_102] {strides = array<i32>} : memref<128x128xf32, #tpu.memory_space<vmem>>, vector<1x16xf32>,
        %swap3A_104 = vector.shape_cast %swap3A_103 : vector<1x16xf32> to vector<16xf32>
        %swap3A_105 = vector.shape_cast %broadcast_in_dim3A_100 : vector<16xf32> to vector<1x16xf32>
        tpu.vector_store %arg11[%swap3A_101, %swap3A_102], %swap3A_105 {strides = array<i32>} : memref<128x128xf32, #tpu.memory_space<vmem>>, vector<1x16xf32>,
        %broadcast_in_dim3A_106 = arith.constant 0.000000e+00 : f32
        %broadcast_in_dim3A_107 = vector.broadcast %broadcast_in_dim3A_106 : f32 to vector<16xf32>
        %swap3A_108 = arith.index_cast %scan3A_65 : i32 to index
        %swap3A_109 = arith.constant 96 : index
        %swap3A_110 = tpu.vector_load %arg11[%swap3A_108, %swap3A_109] {strides = array<i32>} : memref<128x128xf32, #tpu.memory_space<vmem>>, vector<1x16xf32>,
        %swap3A_111 = vector.shape_cast %swap3A_110 : vector<1x16xf32> to vector<16xf32>
        %swap3A_112 = vector.shape_cast %broadcast_in_dim3A_107 : vector<16xf32> to vector<1x16xf32>
        tpu.vector_store %arg11[%swap3A_108, %swap3A_109], %swap3A_112 {strides = array<i32>} : memref<128x128xf32, #tpu.memory_space<vmem>>, vector<1x16xf32>,
        %broadcast_in_dim3A_113 = arith.constant 0.000000e+00 : f32
        %broadcast_in_dim3A_114 = vector.broadcast %broadcast_in_dim3A_113 : f32 to vector<16xf32>
        %swap3A_115 = arith.index_cast %scan3A_65 : i32 to index
        %swap3A_116 = arith.constant 112 : index
        %swap3A_117 = tpu.vector_load %arg11[%swap3A_115, %swap3A_116] {strides = array<i32>} : memref<128x128xf32, #tpu.memory_space<vmem>>, vector<1x16xf32>,
        %swap3A_118 = vector.shape_cast %swap3A_117 : vector<1x16xf32> to vector<16xf32>
        %swap3A_119 = vector.shape_cast %broadcast_in_dim3A_114 : vector<16xf32> to vector<1x16xf32>
        tpu.vector_store %arg11[%swap3A_115, %swap3A_116], %swap3A_119 {strides = array<i32>} : memref<128x128xf32, #tpu.memory_space<vmem>>, vector<1x16xf32>,
      }
      %scan3A_51 = arith.constant 128 : i32
      "tpu.region"() ({
        %run_scoped3A = tpu.sem_alloc : memref<!tpu.dma_semaphore, #tpu.memory_space<semaphore_mem>>
        %dma_start3A_65 = arith.constant 0 : i32
        %dma_start3A_66 = tpu.memref_slice %arg16[%multiple_of3A_21, %dma_start3A_65] : memref<10000x128xf32, #tpu.memory_space<vmem_shared>> -> memref<128x128xf32, #tpu.memory_space<vmem_shared>>
        %dma_start3A_67 = arith.constant 0 : i32
        %dma_start3A_68 = tpu.memref_slice %arg16[%multiple_of3A_21, %dma_start3A_67] : memref<10000x128xf32, #tpu.memory_space<vmem_shared>> -> memref<128x128xf32, #tpu.memory_space<vmem_shared>>
        tpu.enqueue_dma source(%arg11 : memref<128x128xf32, #tpu.memory_space<vmem>>) target(%dma_start3A_68 : memref<128x128xf32, #tpu.memory_space<vmem_shared>>) target_semaphore(%run_scoped3A : memref<!tpu.dma_semaphore, #tpu.memory_space<semaphore_mem>>)
        %dma_wait3A = arith.constant 0 : i32
        %dma_wait3A_69 = tpu.memref_slice %arg16[%multiple_of3A_21, %dma_wait3A] : memref<10000x128xf32, #tpu.memory_space<vmem_shared>> -> memref<128x128xf32, #tpu.memory_space<vmem_shared>>
        %dma_wait3A_70 = arith.constant 0 : i32
        %dma_wait3A_71 = tpu.memref_slice %arg16[%multiple_of3A_21, %dma_wait3A_70] : memref<10000x128xf32, #tpu.memory_space<vmem_shared>> -> memref<128x128xf32, #tpu.memory_space<vmem_shared>>
        tpu.wait_dma2 semaphore(%run_scoped3A : memref<!tpu.dma_semaphore, #tpu.memory_space<semaphore_mem>>) src(%arg11 : memref<128x128xf32, #tpu.memory_space<vmem>>) dst(%dma_wait3A_71 : memref<128x128xf32, #tpu.memory_space<vmem_shared>>)
        tpu.yield
      }) : () -> ()
      %add3A_52 = arith.constant 128 : i32
      %add3A_53 = arith.addi %multiple_of3A_21, %add3A_52 : i32
      "tpu.region"() ({
        %run_scoped3A = tpu.sem_alloc : memref<!tpu.dma_semaphore, #tpu.memory_space<semaphore_mem>>
        %dma_start3A_65 = arith.constant 0 : i32
        %dma_start3A_66 = tpu.memref_slice %arg16[%add3A_53, %dma_start3A_65] : memref<10000x128xf32, #tpu.memory_space<vmem_shared>> -> memref<128x128xf32, #tpu.memory_space<vmem_shared>>
        %dma_start3A_67 = arith.constant 0 : i32
        %dma_start3A_68 = tpu.memref_slice %arg16[%add3A_53, %dma_start3A_67] : memref<10000x128xf32, #tpu.memory_space<vmem_shared>> -> memref<128x128xf32, #tpu.memory_space<vmem_shared>>
        tpu.enqueue_dma source(%arg11 : memref<128x128xf32, #tpu.memory_space<vmem>>) target(%dma_start3A_68 : memref<128x128xf32, #tpu.memory_space<vmem_shared>>) target_semaphore(%run_scoped3A : memref<!tpu.dma_semaphore, #tpu.memory_space<semaphore_mem>>)
        %dma_wait3A = arith.constant 0 : i32
        %dma_wait3A_69 = tpu.memref_slice %arg16[%add3A_53, %dma_wait3A] : memref<10000x128xf32, #tpu.memory_space<vmem_shared>> -> memref<128x128xf32, #tpu.memory_space<vmem_shared>>
        %dma_wait3A_70 = arith.constant 0 : i32
        %dma_wait3A_71 = tpu.memref_slice %arg16[%add3A_53, %dma_wait3A_70] : memref<10000x128xf32, #tpu.memory_space<vmem_shared>> -> memref<128x128xf32, #tpu.memory_space<vmem_shared>>
        tpu.wait_dma2 semaphore(%run_scoped3A : memref<!tpu.dma_semaphore, #tpu.memory_space<semaphore_mem>>) src(%arg11 : memref<128x128xf32, #tpu.memory_space<vmem>>) dst(%dma_wait3A_71 : memref<128x128xf32, #tpu.memory_space<vmem_shared>>)
        tpu.yield
      }) : () -> ()
      %add3A_54 = arith.constant 256 : i32
      %add3A_55 = arith.addi %multiple_of3A_21, %add3A_54 : i32
      "tpu.region"() ({
        %run_scoped3A = tpu.sem_alloc : memref<!tpu.dma_semaphore, #tpu.memory_space<semaphore_mem>>
        %dma_start3A_65 = arith.constant 0 : i32
        %dma_start3A_66 = tpu.memref_slice %arg16[%add3A_55, %dma_start3A_65] : memref<10000x128xf32, #tpu.memory_space<vmem_shared>> -> memref<128x128xf32, #tpu.memory_space<vmem_shared>>
        %dma_start3A_67 = arith.constant 0 : i32
        %dma_start3A_68 = tpu.memref_slice %arg16[%add3A_55, %dma_start3A_67] : memref<10000x128xf32, #tpu.memory_space<vmem_shared>> -> memref<128x128xf32, #tpu.memory_space<vmem_shared>>
        tpu.enqueue_dma source(%arg11 : memref<128x128xf32, #tpu.memory_space<vmem>>) target(%dma_start3A_68 : memref<128x128xf32, #tpu.memory_space<vmem_shared>>) target_semaphore(%run_scoped3A : memref<!tpu.dma_semaphore, #tpu.memory_space<semaphore_mem>>)
        %dma_wait3A = arith.constant 0 : i32
        %dma_wait3A_69 = tpu.memref_slice %arg16[%add3A_55, %dma_wait3A] : memref<10000x128xf32, #tpu.memory_space<vmem_shared>> -> memref<128x128xf32, #tpu.memory_space<vmem_shared>>
        %dma_wait3A_70 = arith.constant 0 : i32
        %dma_wait3A_71 = tpu.memref_slice %arg16[%add3A_55, %dma_wait3A_70] : memref<10000x128xf32, #tpu.memory_space<vmem_shared>> -> memref<128x128xf32, #tpu.memory_space<vmem_shared>>
        tpu.wait_dma2 semaphore(%run_scoped3A : memref<!tpu.dma_semaphore, #tpu.memory_space<semaphore_mem>>) src(%arg11 : memref<128x128xf32, #tpu.memory_space<vmem>>) dst(%dma_wait3A_71 : memref<128x128xf32, #tpu.memory_space<vmem_shared>>)
        tpu.yield
      }) : () -> ()
      %add3A_56 = arith.constant 384 : i32
      %add3A_57 = arith.addi %multiple_of3A_21, %add3A_56 : i32
      "tpu.region"() ({
        %run_scoped3A = tpu.sem_alloc : memref<!tpu.dma_semaphore, #tpu.memory_space<semaphore_mem>>
        %dma_start3A_65 = arith.constant 0 : i32
        %dma_start3A_66 = tpu.memref_slice %arg16[%add3A_57, %dma_start3A_65] : memref<10000x128xf32, #tpu.memory_space<vmem_shared>> -> memref<128x128xf32, #tpu.memory_space<vmem_shared>>
        %dma_start3A_67 = arith.constant 0 : i32
        %dma_start3A_68 = tpu.memref_slice %arg16[%add3A_57, %dma_start3A_67] : memref<10000x128xf32, #tpu.memory_space<vmem_shared>> -> memref<128x128xf32, #tpu.memory_space<vmem_shared>>
        tpu.enqueue_dma source(%arg11 : memref<128x128xf32, #tpu.memory_space<vmem>>) target(%dma_start3A_68 : memref<128x128xf32, #tpu.memory_space<vmem_shared>>) target_semaphore(%run_scoped3A : memref<!tpu.dma_semaphore, #tpu.memory_space<semaphore_mem>>)
        %dma_wait3A = arith.constant 0 : i32
        %dma_wait3A_69 = tpu.memref_slice %arg16[%add3A_57, %dma_wait3A] : memref<10000x128xf32, #tpu.memory_space<vmem_shared>> -> memref<128x128xf32, #tpu.memory_space<vmem_shared>>
        %dma_wait3A_70 = arith.constant 0 : i32
        %dma_wait3A_71 = tpu.memref_slice %arg16[%add3A_57, %dma_wait3A_70] : memref<10000x128xf32, #tpu.memory_space<vmem_shared>> -> memref<128x128xf32, #tpu.memory_space<vmem_shared>>
        tpu.wait_dma2 semaphore(%run_scoped3A : memref<!tpu.dma_semaphore, #tpu.memory_space<semaphore_mem>>) src(%arg11 : memref<128x128xf32, #tpu.memory_space<vmem>>) dst(%dma_wait3A_71 : memref<128x128xf32, #tpu.memory_space<vmem_shared>>)
        tpu.yield
      }) : () -> ()
      %add3A_58 = arith.constant 512 : i32
      %add3A_59 = arith.addi %multiple_of3A_21, %add3A_58 : i32
      "tpu.region"() ({
        %run_scoped3A = tpu.sem_alloc : memref<!tpu.dma_semaphore, #tpu.memory_space<semaphore_mem>>
        %dma_start3A_65 = arith.constant 0 : i32
        %dma_start3A_66 = arith.constant 0 : i32
        %dma_start3A_67 = tpu.memref_slice %arg11[%dma_start3A_65, %dma_start3A_66] : memref<128x128xf32, #tpu.memory_space<vmem>> -> memref<112x128xf32, #tpu.memory_space<vmem>>
        %dma_start3A_68 = arith.constant 0 : i32
        %dma_start3A_69 = tpu.memref_slice %arg16[%add3A_59, %dma_start3A_68] : memref<10000x128xf32, #tpu.memory_space<vmem_shared>> -> memref<112x128xf32, #tpu.memory_space<vmem_shared>>
        %dma_start3A_70 = arith.constant 0 : i32
        %dma_start3A_71 = tpu.memref_slice %arg16[%add3A_59, %dma_start3A_70] : memref<10000x128xf32, #tpu.memory_space<vmem_shared>> -> memref<112x128xf32, #tpu.memory_space<vmem_shared>>
        %dma_start3A_72 = arith.constant 0 : i32
        %dma_start3A_73 = arith.constant 0 : i32
        %dma_start3A_74 = tpu.memref_slice %arg11[%dma_start3A_72, %dma_start3A_73] : memref<128x128xf32, #tpu.memory_space<vmem>> -> memref<112x128xf32, #tpu.memory_space<vmem>>
        tpu.enqueue_dma source(%dma_start3A_74 : memref<112x128xf32, #tpu.memory_space<vmem>>) target(%dma_start3A_71 : memref<112x128xf32, #tpu.memory_space<vmem_shared>>) target_semaphore(%run_scoped3A : memref<!tpu.dma_semaphore, #tpu.memory_space<semaphore_mem>>)
        %dma_wait3A = arith.constant 0 : i32
        %dma_wait3A_75 = arith.constant 0 : i32
        %dma_wait3A_76 = tpu.memref_slice %arg11[%dma_wait3A, %dma_wait3A_75] : memref<128x128xf32, #tpu.memory_space<vmem>> -> memref<112x128xf32, #tpu.memory_space<vmem>>
        %dma_wait3A_77 = arith.constant 0 : i32
        %dma_wait3A_78 = tpu.memref_slice %arg16[%add3A_59, %dma_wait3A_77] : memref<10000x128xf32, #tpu.memory_space<vmem_shared>> -> memref<112x128xf32, #tpu.memory_space<vmem_shared>>
        %dma_wait3A_79 = arith.constant 0 : i32
        %dma_wait3A_80 = tpu.memref_slice %arg16[%add3A_59, %dma_wait3A_79] : memref<10000x128xf32, #tpu.memory_space<vmem_shared>> -> memref<112x128xf32, #tpu.memory_space<vmem_shared>>
        %dma_wait3A_81 = arith.constant 0 : i32
        %dma_wait3A_82 = arith.constant 0 : i32
        %dma_wait3A_83 = tpu.memref_slice %arg11[%dma_wait3A_81, %dma_wait3A_82] : memref<128x128xf32, #tpu.memory_space<vmem>> -> memref<112x128xf32, #tpu.memory_space<vmem>>
        tpu.wait_dma2 semaphore(%run_scoped3A : memref<!tpu.dma_semaphore, #tpu.memory_space<semaphore_mem>>) src(%dma_wait3A_83 : memref<112x128xf32, #tpu.memory_space<vmem>>) dst(%dma_wait3A_80 : memref<112x128xf32, #tpu.memory_space<vmem_shared>>)
        tpu.yield
      }) : () -> ()
      %eq3A_60 = arith.constant 15 : i32
      %eq3A_61 = arith.cmpi eq, %arg1, %eq3A_60 : i32
      %convert_element_type3A_62 = arith.extui %eq3A_61 : i1 to i32
      %cond3A_63 = arith.constant 0 : i32
      %cond3A_64 = arith.cmpi ne, %convert_element_type3A_62, %cond3A_63 : i32
      scf.if %cond3A_64 {
        "tpu.region"() ({
          %run_scoped3A = tpu.sem_alloc : memref<!tpu.dma_semaphore, #tpu.memory_space<semaphore_mem>>
          %dma_start3A_65 = arith.constant 0 : i32
          %dma_start3A_66 = arith.constant 0 : i32
          %dma_start3A_67 = tpu.memref_slice %arg11[%dma_start3A_65, %dma_start3A_66] : memref<128x128xf32, #tpu.memory_space<vmem>> -> memref<16x128xf32, #tpu.memory_space<vmem>>
          %dma_start3A_68 = arith.constant 9984 : i32
          %dma_start3A_69 = arith.constant 0 : i32
          %dma_start3A_70 = tpu.memref_slice %arg16[%dma_start3A_68, %dma_start3A_69] : memref<10000x128xf32, #tpu.memory_space<vmem_shared>> -> memref<16x128xf32, #tpu.memory_space<vmem_shared>>
          %dma_start3A_71 = arith.constant 9984 : i32
          %dma_start3A_72 = arith.constant 0 : i32
          %dma_start3A_73 = tpu.memref_slice %arg16[%dma_start3A_71, %dma_start3A_72] : memref<10000x128xf32, #tpu.memory_space<vmem_shared>> -> memref<16x128xf32, #tpu.memory_space<vmem_shared>>
          %dma_start3A_74 = arith.constant 0 : i32
          %dma_start3A_75 = arith.constant 0 : i32
          %dma_start3A_76 = tpu.memref_slice %arg11[%dma_start3A_74, %dma_start3A_75] : memref<128x128xf32, #tpu.memory_space<vmem>> -> memref<16x128xf32, #tpu.memory_space<vmem>>
          tpu.enqueue_dma source(%dma_start3A_76 : memref<16x128xf32, #tpu.memory_space<vmem>>) target(%dma_start3A_73 : memref<16x128xf32, #tpu.memory_space<vmem_shared>>) target_semaphore(%run_scoped3A : memref<!tpu.dma_semaphore, #tpu.memory_space<semaphore_mem>>)
          %dma_wait3A = arith.constant 0 : i32
          %dma_wait3A_77 = arith.constant 0 : i32
          %dma_wait3A_78 = tpu.memref_slice %arg11[%dma_wait3A, %dma_wait3A_77] : memref<128x128xf32, #tpu.memory_space<vmem>> -> memref<16x128xf32, #tpu.memory_space<vmem>>
          %dma_wait3A_79 = arith.constant 9984 : i32
          %dma_wait3A_80 = arith.constant 0 : i32
          %dma_wait3A_81 = tpu.memref_slice %arg16[%dma_wait3A_79, %dma_wait3A_80] : memref<10000x128xf32, #tpu.memory_space<vmem_shared>> -> memref<16x128xf32, #tpu.memory_space<vmem_shared>>
          %dma_wait3A_82 = arith.constant 9984 : i32
          %dma_wait3A_83 = arith.constant 0 : i32
          %dma_wait3A_84 = tpu.memref_slice %arg16[%dma_wait3A_82, %dma_wait3A_83] : memref<10000x128xf32, #tpu.memory_space<vmem_shared>> -> memref<16x128xf32, #tpu.memory_space<vmem_shared>>
          %dma_wait3A_85 = arith.constant 0 : i32
          %dma_wait3A_86 = arith.constant 0 : i32
          %dma_wait3A_87 = tpu.memref_slice %arg11[%dma_wait3A_85, %dma_wait3A_86] : memref<128x128xf32, #tpu.memory_space<vmem>> -> memref<16x128xf32, #tpu.memory_space<vmem>>
          tpu.wait_dma2 semaphore(%run_scoped3A : memref<!tpu.dma_semaphore, #tpu.memory_space<semaphore_mem>>) src(%dma_wait3A_87 : memref<16x128xf32, #tpu.memory_space<vmem>>) dst(%dma_wait3A_84 : memref<16x128xf32, #tpu.memory_space<vmem_shared>>)
          tpu.yield
        }) : () -> ()
      } else {
      }
    } else {
    }
    %barrier3A = arith.constant 0 : index
    tpu.barrier barrier_id(%barrier3A)
    %scan3A = arith.constant 0 : i32
    %scan3A_29 = arith.constant 0 : i32
    %scan3A_30 = arith.constant 39 : i32
    %scan3A_31 = arith.addi %scan3A_29, %scan3A_30 : i32
    %scan3A_32 = arith.constant 1 : i32
    scf.for %scan3A_46 = %scan3A_29 to %scan3A_31 step %scan3A_32  : i32 {
      %mul3A_47 = arith.constant 2 : i32
      %mul3A_48 = arith.muli %scan3A_46, %mul3A_47 : i32
      %add3A_49 = arith.constant 0 : i32
      %add3A_50 = arith.addi %mul3A_48, %add3A_49 : i32
      %mul3A_51 = arith.constant 128 : i32
      %mul3A_52 = arith.muli %add3A_50, %mul3A_51 : i32
      %add3A_53 = arith.addi %mul3A_2, %mul3A_52 : i32
      %multiple_of3A_54 = tpu.assume_multiple %add3A_53, 8 : i32
      %dma_wait3A = tpu.memref_slice %arg3[%multiple_of3A_54] : memref<320000xi32, #tpu.memory_space<hbm>> -> memref<128xi32, #tpu.memory_space<hbm>>
      %dma_wait3A_55 = tpu.memref_slice %arg3[%multiple_of3A_54] : memref<320000xi32, #tpu.memory_space<hbm>> -> memref<128xi32, #tpu.memory_space<hbm>>
      tpu.wait_dma2 semaphore(%arg12 : memref<!tpu.dma_semaphore, #tpu.memory_space<semaphore_mem>>) src(%dma_wait3A_55 : memref<128xi32, #tpu.memory_space<hbm>>) dst(%arg6 : memref<128xi32, #tpu.memory_space<vmem>>)
      %dma_wait3A_56 = arith.constant 0 : i32
      %dma_wait3A_57 = tpu.memref_slice %arg2[%multiple_of3A_54, %dma_wait3A_56] : memref<320000x128xf32, #tpu.memory_space<hbm>> -> memref<128x128xf32, #tpu.memory_space<hbm>>
      %dma_wait3A_58 = arith.constant 0 : i32
      %dma_wait3A_59 = tpu.memref_slice %arg2[%multiple_of3A_54, %dma_wait3A_58] : memref<320000x128xf32, #tpu.memory_space<hbm>> -> memref<128x128xf32, #tpu.memory_space<hbm>>
      tpu.wait_dma2 semaphore(%arg12 : memref<!tpu.dma_semaphore, #tpu.memory_space<semaphore_mem>>) src(%dma_wait3A_59 : memref<128x128xf32, #tpu.memory_space<hbm>>) dst(%arg9 : memref<128x128xf32, #tpu.memory_space<vmem>>)
      %dma_start3A_60 = arith.constant 0 : i32
      %dma_start3A_61 = arith.constant 0 : i32
      %dma_start3A_62 = tpu.memref_slice %arg16[%dma_start3A_60, %dma_start3A_61] : memref<10000x128xf32, #tpu.memory_space<vmem_shared>> -> memref<10000x128xf32, #tpu.memory_space<vmem_shared>>
      tpu.enqueue_indirect_dma source(%arg9 : memref<128x128xf32, #tpu.memory_space<vmem>>) target(%dma_start3A_62 : memref<10000x128xf32, #tpu.memory_space<vmem_shared>>) offsets(%arg6 : memref<128xi32, #tpu.memory_space<vmem>>) semaphore(%arg14 : memref<!tpu.dma_semaphore, #tpu.memory_space<semaphore_mem>>) {add = true}
      %dma_wait3A_63 = arith.constant 0 : i32
      %dma_wait3A_64 = arith.constant 0 : i32
      %dma_wait3A_65 = tpu.memref_slice %arg16[%dma_wait3A_63, %dma_wait3A_64] : memref<10000x128xf32, #tpu.memory_space<vmem_shared>> -> memref<10000x128xf32, #tpu.memory_space<vmem_shared>>
      tpu.wait_indirect_dma semaphore(%arg14 : memref<!tpu.dma_semaphore, #tpu.memory_space<semaphore_mem>>) src(%arg9 : memref<128x128xf32, #tpu.memory_space<vmem>>) dst(%dma_wait3A_65 : memref<10000x128xf32, #tpu.memory_space<vmem_shared>>)
      %add3A_66 = arith.constant 2 : i32
      %add3A_67 = arith.addi %add3A_50, %add3A_66 : i32
      %lt3A = arith.constant 78 : i32
      %lt3A_68 = arith.cmpi slt, %add3A_67, %lt3A : i32
      %convert_element_type3A_69 = arith.extui %lt3A_68 : i1 to i32
      %cond3A_70 = arith.constant 0 : i32
      %cond3A_71 = arith.cmpi ne, %convert_element_type3A_69, %cond3A_70 : i32
      scf.if %cond3A_71 {
        %add3A_99 = arith.constant 2 : i32
        %add3A_100 = arith.addi %add3A_50, %add3A_99 : i32
        %mul3A_101 = arith.constant 128 : i32
        %mul3A_102 = arith.muli %add3A_100, %mul3A_101 : i32
        %add3A_103 = arith.addi %mul3A_2, %mul3A_102 : i32
        %multiple_of3A_104 = tpu.assume_multiple %add3A_103, 8 : i32
        %dma_start3A_105 = tpu.memref_slice %arg3[%multiple_of3A_104] : memref<320000xi32, #tpu.memory_space<hbm>> -> memref<128xi32, #tpu.memory_space<hbm>>
        %dma_start3A_106 = tpu.memref_slice %arg3[%multiple_of3A_104] : memref<320000xi32, #tpu.memory_space<hbm>> -> memref<128xi32, #tpu.memory_space<hbm>>
        tpu.enqueue_dma source(%dma_start3A_106 : memref<128xi32, #tpu.memory_space<hbm>>) target(%arg6 : memref<128xi32, #tpu.memory_space<vmem>>) target_semaphore(%arg12 : memref<!tpu.dma_semaphore, #tpu.memory_space<semaphore_mem>>)
        %dma_start3A_107 = arith.constant 0 : i32
        %dma_start3A_108 = tpu.memref_slice %arg2[%multiple_of3A_104, %dma_start3A_107] : memref<320000x128xf32, #tpu.memory_space<hbm>> -> memref<128x128xf32, #tpu.memory_space<hbm>>
        %dma_start3A_109 = arith.constant 0 : i32
        %dma_start3A_110 = tpu.memref_slice %arg2[%multiple_of3A_104, %dma_start3A_109] : memref<320000x128xf32, #tpu.memory_space<hbm>> -> memref<128x128xf32, #tpu.memory_space<hbm>>
        tpu.enqueue_dma source(%dma_start3A_110 : memref<128x128xf32, #tpu.memory_space<hbm>>) target(%arg9 : memref<128x128xf32, #tpu.memory_space<vmem>>) target_semaphore(%arg12 : memref<!tpu.dma_semaphore, #tpu.memory_space<semaphore_mem>>)
      } else {
      }
      %mul3A_72 = arith.constant 2 : i32
      %mul3A_73 = arith.muli %scan3A_46, %mul3A_72 : i32
      %add3A_74 = arith.constant 1 : i32
      %add3A_75 = arith.addi %mul3A_73, %add3A_74 : i32
      %mul3A_76 = arith.constant 128 : i32
      %mul3A_77 = arith.muli %add3A_75, %mul3A_76 : i32
      %add3A_78 = arith.addi %mul3A_2, %mul3A_77 : i32
      %multiple_of3A_79 = tpu.assume_multiple %add3A_78, 8 : i32
      %dma_wait3A_80 = tpu.memref_slice %arg3[%multiple_of3A_79] : memref<320000xi32, #tpu.memory_space<hbm>> -> memref<128xi32, #tpu.memory_space<hbm>>
      %dma_wait3A_81 = tpu.memref_slice %arg3[%multiple_of3A_79] : memref<320000xi32, #tpu.memory_space<hbm>> -> memref<128xi32, #tpu.memory_space<hbm>>
      tpu.wait_dma2 semaphore(%arg13 : memref<!tpu.dma_semaphore, #tpu.memory_space<semaphore_mem>>) src(%dma_wait3A_81 : memref<128xi32, #tpu.memory_space<hbm>>) dst(%arg7 : memref<128xi32, #tpu.memory_space<vmem>>)
      %dma_wait3A_82 = arith.constant 0 : i32
      %dma_wait3A_83 = tpu.memref_slice %arg2[%multiple_of3A_79, %dma_wait3A_82] : memref<320000x128xf32, #tpu.memory_space<hbm>> -> memref<128x128xf32, #tpu.memory_space<hbm>>
      %dma_wait3A_84 = arith.constant 0 : i32
      %dma_wait3A_85 = tpu.memref_slice %arg2[%multiple_of3A_79, %dma_wait3A_84] : memref<320000x128xf32, #tpu.memory_space<hbm>> -> memref<128x128xf32, #tpu.memory_space<hbm>>
      tpu.wait_dma2 semaphore(%arg13 : memref<!tpu.dma_semaphore, #tpu.memory_space<semaphore_mem>>) src(%dma_wait3A_85 : memref<128x128xf32, #tpu.memory_space<hbm>>) dst(%arg10 : memref<128x128xf32, #tpu.memory_space<vmem>>)
      %dma_start3A_86 = arith.constant 0 : i32
      %dma_start3A_87 = arith.constant 0 : i32
      %dma_start3A_88 = tpu.memref_slice %arg16[%dma_start3A_86, %dma_start3A_87] : memref<10000x128xf32, #tpu.memory_space<vmem_shared>> -> memref<10000x128xf32, #tpu.memory_space<vmem_shared>>
      tpu.enqueue_indirect_dma source(%arg10 : memref<128x128xf32, #tpu.memory_space<vmem>>) target(%dma_start3A_88 : memref<10000x128xf32, #tpu.memory_space<vmem_shared>>) offsets(%arg7 : memref<128xi32, #tpu.memory_space<vmem>>) semaphore(%arg15 : memref<!tpu.dma_semaphore, #tpu.memory_space<semaphore_mem>>) {add = true}
      %dma_wait3A_89 = arith.constant 0 : i32
      %dma_wait3A_90 = arith.constant 0 : i32
      %dma_wait3A_91 = tpu.memref_slice %arg16[%dma_wait3A_89, %dma_wait3A_90] : memref<10000x128xf32, #tpu.memory_space<vmem_shared>> -> memref<10000x128xf32, #tpu.memory_space<vmem_shared>>
      tpu.wait_indirect_dma semaphore(%arg15 : memref<!tpu.dma_semaphore, #tpu.memory_space<semaphore_mem>>) src(%arg10 : memref<128x128xf32, #tpu.memory_space<vmem>>) dst(%dma_wait3A_91 : memref<10000x128xf32, #tpu.memory_space<vmem_shared>>)
      %add3A_92 = arith.constant 2 : i32
      %add3A_93 = arith.addi %add3A_75, %add3A_92 : i32
      %lt3A_94 = arith.constant 78 : i32
      %lt3A_95 = arith.cmpi slt, %add3A_93, %lt3A_94 : i32
      %convert_element_type3A_96 = arith.extui %lt3A_95 : i1 to i32
      %cond3A_97 = arith.constant 0 : i32
      %cond3A_98 = arith.cmpi ne, %convert_element_type3A_96, %cond3A_97 : i32
      scf.if %cond3A_98 {
        %add3A_99 = arith.constant 2 : i32
        %add3A_100 = arith.addi %add3A_75, %add3A_99 : i32
        %mul3A_101 = arith.constant 128 : i32
        %mul3A_102 = arith.muli %add3A_100, %mul3A_101 : i32
        %add3A_103 = arith.addi %mul3A_2, %mul3A_102 : i32
        %multiple_of3A_104 = tpu.assume_multiple %add3A_103, 8 : i32
        %dma_start3A_105 = tpu.memref_slice %arg3[%multiple_of3A_104] : memref<320000xi32, #tpu.memory_space<hbm>> -> memref<128xi32, #tpu.memory_space<hbm>>
        %dma_start3A_106 = tpu.memref_slice %arg3[%multiple_of3A_104] : memref<320000xi32, #tpu.memory_space<hbm>> -> memref<128xi32, #tpu.memory_space<hbm>>
        tpu.enqueue_dma source(%dma_start3A_106 : memref<128xi32, #tpu.memory_space<hbm>>) target(%arg7 : memref<128xi32, #tpu.memory_space<vmem>>) target_semaphore(%arg13 : memref<!tpu.dma_semaphore, #tpu.memory_space<semaphore_mem>>)
        %dma_start3A_107 = arith.constant 0 : i32
        %dma_start3A_108 = tpu.memref_slice %arg2[%multiple_of3A_104, %dma_start3A_107] : memref<320000x128xf32, #tpu.memory_space<hbm>> -> memref<128x128xf32, #tpu.memory_space<hbm>>
        %dma_start3A_109 = arith.constant 0 : i32
        %dma_start3A_110 = tpu.memref_slice %arg2[%multiple_of3A_104, %dma_start3A_109] : memref<320000x128xf32, #tpu.memory_space<hbm>> -> memref<128x128xf32, #tpu.memory_space<hbm>>
        tpu.enqueue_dma source(%dma_start3A_110 : memref<128x128xf32, #tpu.memory_space<hbm>>) target(%arg10 : memref<128x128xf32, #tpu.memory_space<vmem>>) target_semaphore(%arg13 : memref<!tpu.dma_semaphore, #tpu.memory_space<semaphore_mem>>)
      } else {
      }
    }
    %scan3A_33 = arith.constant 39 : i32
    %add3A_34 = arith.constant 9984 : i32
    %add3A_35 = arith.addi %mul3A_2, %add3A_34 : i32
    %multiple_of3A_36 = tpu.assume_multiple %add3A_35, 8 : i32
    "tpu.region"() ({
      %run_scoped3A = tpu.sem_alloc : memref<!tpu.dma_semaphore, #tpu.memory_space<semaphore_mem>>
      %dma_start3A_46 = tpu.memref_slice %arg3[%multiple_of3A_36] : memref<320000xi32, #tpu.memory_space<hbm>> -> memref<16xi32, #tpu.memory_space<hbm>>
      %dma_start3A_47 = tpu.memref_slice %arg3[%multiple_of3A_36] : memref<320000xi32, #tpu.memory_space<hbm>> -> memref<16xi32, #tpu.memory_space<hbm>>
      tpu.enqueue_dma source(%dma_start3A_47 : memref<16xi32, #tpu.memory_space<hbm>>) target(%arg8 : memref<16xi32, #tpu.memory_space<vmem>>) target_semaphore(%run_scoped3A : memref<!tpu.dma_semaphore, #tpu.memory_space<semaphore_mem>>)
      %dma_wait3A = tpu.memref_slice %arg3[%multiple_of3A_36] : memref<320000xi32, #tpu.memory_space<hbm>> -> memref<16xi32, #tpu.memory_space<hbm>>
      %dma_wait3A_48 = tpu.memref_slice %arg3[%multiple_of3A_36] : memref<320000xi32, #tpu.memory_space<hbm>> -> memref<16xi32, #tpu.memory_space<hbm>>
      tpu.wait_dma2 semaphore(%run_scoped3A : memref<!tpu.dma_semaphore, #tpu.memory_space<semaphore_mem>>) src(%dma_wait3A_48 : memref<16xi32, #tpu.memory_space<hbm>>) dst(%arg8 : memref<16xi32, #tpu.memory_space<vmem>>)
      tpu.yield
    }) : () -> ()
    "tpu.region"() ({
      %run_scoped3A = tpu.sem_alloc : memref<!tpu.dma_semaphore, #tpu.memory_space<semaphore_mem>>
      %dma_start3A_46 = arith.constant 0 : i32
      %dma_start3A_47 = arith.constant 0 : i32
      %dma_start3A_48 = tpu.memref_slice %arg9[%dma_start3A_46, %dma_start3A_47] : memref<128x128xf32, #tpu.memory_space<vmem>> -> memref<16x128xf32, #tpu.memory_space<vmem>>
      %dma_start3A_49 = arith.constant 0 : i32
      %dma_start3A_50 = tpu.memref_slice %arg2[%multiple_of3A_36, %dma_start3A_49] : memref<320000x128xf32, #tpu.memory_space<hbm>> -> memref<16x128xf32, #tpu.memory_space<hbm>>
      %dma_start3A_51 = arith.constant 0 : i32
      %dma_start3A_52 = arith.constant 0 : i32
      %dma_start3A_53 = tpu.memref_slice %arg9[%dma_start3A_51, %dma_start3A_52] : memref<128x128xf32, #tpu.memory_space<vmem>> -> memref<16x128xf32, #tpu.memory_space<vmem>>
      %dma_start3A_54 = arith.constant 0 : i32
      %dma_start3A_55 = tpu.memref_slice %arg2[%multiple_of3A_36, %dma_start3A_54] : memref<320000x128xf32, #tpu.memory_space<hbm>> -> memref<16x128xf32, #tpu.memory_space<hbm>>
      tpu.enqueue_dma source(%dma_start3A_55 : memref<16x128xf32, #tpu.memory_space<hbm>>) target(%dma_start3A_53 : memref<16x128xf32, #tpu.memory_space<vmem>>) target_semaphore(%run_scoped3A : memref<!tpu.dma_semaphore, #tpu.memory_space<semaphore_mem>>)
      %dma_wait3A = arith.constant 0 : i32
      %dma_wait3A_56 = arith.constant 0 : i32
      %dma_wait3A_57 = tpu.memref_slice %arg9[%dma_wait3A, %dma_wait3A_56] : memref<128x128xf32, #tpu.memory_space<vmem>> -> memref<16x128xf32, #tpu.memory_space<vmem>>
      %dma_wait3A_58 = arith.constant 0 : i32
      %dma_wait3A_59 = tpu.memref_slice %arg2[%multiple_of3A_36, %dma_wait3A_58] : memref<320000x128xf32, #tpu.memory_space<hbm>> -> memref<16x128xf32, #tpu.memory_space<hbm>>
      %dma_wait3A_60 = arith.constant 0 : i32
      %dma_wait3A_61 = arith.constant 0 : i32
      %dma_wait3A_62 = tpu.memref_slice %arg9[%dma_wait3A_60, %dma_wait3A_61] : memref<128x128xf32, #tpu.memory_space<vmem>> -> memref<16x128xf32, #tpu.memory_space<vmem>>
      %dma_wait3A_63 = arith.constant 0 : i32
      %dma_wait3A_64 = tpu.memref_slice %arg2[%multiple_of3A_36, %dma_wait3A_63] : memref<320000x128xf32, #tpu.memory_space<hbm>> -> memref<16x128xf32, #tpu.memory_space<hbm>>
      tpu.wait_dma2 semaphore(%run_scoped3A : memref<!tpu.dma_semaphore, #tpu.memory_space<semaphore_mem>>) src(%dma_wait3A_64 : memref<16x128xf32, #tpu.memory_space<hbm>>) dst(%dma_wait3A_62 : memref<16x128xf32, #tpu.memory_space<vmem>>)
      tpu.yield
    }) : () -> ()
    "tpu.region"() ({
      %run_scoped3A = tpu.sem_alloc : memref<!tpu.dma_semaphore, #tpu.memory_space<semaphore_mem>>
      %dma_start3A_46 = arith.constant 0 : i32
      %dma_start3A_47 = arith.constant 0 : i32
      %dma_start3A_48 = tpu.memref_slice %arg9[%dma_start3A_46, %dma_start3A_47] : memref<128x128xf32, #tpu.memory_space<vmem>> -> memref<16x128xf32, #tpu.memory_space<vmem>>
      %dma_start3A_49 = arith.constant 0 : i32
      %dma_start3A_50 = arith.constant 0 : i32
      %dma_start3A_51 = tpu.memref_slice %arg16[%dma_start3A_49, %dma_start3A_50] : memref<10000x128xf32, #tpu.memory_space<vmem_shared>> -> memref<10000x128xf32, #tpu.memory_space<vmem_shared>>
      tpu.enqueue_indirect_dma source(%dma_start3A_48 : memref<16x128xf32, #tpu.memory_space<vmem>>) target(%dma_start3A_51 : memref<10000x128xf32, #tpu.memory_space<vmem_shared>>) offsets(%arg8 : memref<16xi32, #tpu.memory_space<vmem>>) semaphore(%run_scoped3A : memref<!tpu.dma_semaphore, #tpu.memory_space<semaphore_mem>>) {add = true}
      %dma_wait3A = arith.constant 0 : i32
      %dma_wait3A_52 = arith.constant 0 : i32
      %dma_wait3A_53 = tpu.memref_slice %arg9[%dma_wait3A, %dma_wait3A_52] : memref<128x128xf32, #tpu.memory_space<vmem>> -> memref<16x128xf32, #tpu.memory_space<vmem>>
      %dma_wait3A_54 = arith.constant 0 : i32
      %dma_wait3A_55 = arith.constant 0 : i32
      %dma_wait3A_56 = tpu.memref_slice %arg16[%dma_wait3A_54, %dma_wait3A_55] : memref<10000x128xf32, #tpu.memory_space<vmem_shared>> -> memref<10000x128xf32, #tpu.memory_space<vmem_shared>>
      tpu.wait_indirect_dma semaphore(%run_scoped3A : memref<!tpu.dma_semaphore, #tpu.memory_space<semaphore_mem>>) src(%dma_wait3A_53 : memref<16x128xf32, #tpu.memory_space<vmem>>) dst(%dma_wait3A_56 : memref<10000x128xf32, #tpu.memory_space<vmem_shared>>)
      tpu.yield
    }) : () -> ()
    %barrier3A_37 = arith.constant 0 : index
    tpu.barrier barrier_id(%barrier3A_37)
    %mul3A_38 = arith.constant 624 : i32
    %mul3A_39 = arith.muli %arg1, %mul3A_38 : i32
    %multiple_of3A_40 = tpu.assume_multiple %mul3A_39, 8 : i32
    "tpu.region"() ({
      %run_scoped3A = tpu.sem_alloc : memref<!tpu.dma_semaphore, #tpu.memory_space<semaphore_mem>>
      %dma_start3A_46 = arith.constant 0 : i32
      %dma_start3A_47 = tpu.memref_slice %arg5[%arg0, %multiple_of3A_40, %dma_start3A_46] : memref<2x10000x128xf32, #tpu.memory_space<hbm>> -> memref<1x624x128xf32, #tpu.memory_space<hbm>>
      %dma_start3A_48 = tpu.memref_squeeze %dma_start3A_47 : memref<1x624x128xf32, #tpu.memory_space<hbm>> -> memref<624x128xf32, #tpu.memory_space<hbm>>
      %dma_start3A_49 = arith.constant 0 : i32
      %dma_start3A_50 = tpu.memref_slice %arg16[%multiple_of3A_40, %dma_start3A_49] : memref<10000x128xf32, #tpu.memory_space<vmem_shared>> -> memref<624x128xf32, #tpu.memory_space<vmem_shared>>
      tpu.enqueue_dma source(%dma_start3A_50 : memref<624x128xf32, #tpu.memory_space<vmem_shared>>) target(%dma_start3A_48 : memref<624x128xf32, #tpu.memory_space<hbm>>) target_semaphore(%run_scoped3A : memref<!tpu.dma_semaphore, #tpu.memory_space<semaphore_mem>>)
      %dma_wait3A = arith.constant 0 : i32
      %dma_wait3A_51 = tpu.memref_slice %arg5[%arg0, %multiple_of3A_40, %dma_wait3A] : memref<2x10000x128xf32, #tpu.memory_space<hbm>> -> memref<1x624x128xf32, #tpu.memory_space<hbm>>
      %dma_wait3A_52 = tpu.memref_squeeze %dma_wait3A_51 : memref<1x624x128xf32, #tpu.memory_space<hbm>> -> memref<624x128xf32, #tpu.memory_space<hbm>>
      %dma_wait3A_53 = arith.constant 0 : i32
      %dma_wait3A_54 = tpu.memref_slice %arg16[%multiple_of3A_40, %dma_wait3A_53] : memref<10000x128xf32, #tpu.memory_space<vmem_shared>> -> memref<624x128xf32, #tpu.memory_space<vmem_shared>>
      tpu.wait_dma2 semaphore(%run_scoped3A : memref<!tpu.dma_semaphore, #tpu.memory_space<semaphore_mem>>) src(%dma_wait3A_54 : memref<624x128xf32, #tpu.memory_space<vmem_shared>>) dst(%dma_wait3A_52 : memref<624x128xf32, #tpu.memory_space<hbm>>)
      tpu.yield
    }) : () -> ()
    %eq3A_41 = arith.constant 15 : i32
    %eq3A_42 = arith.cmpi eq, %arg1, %eq3A_41 : i32
    %convert_element_type3A_43 = arith.extui %eq3A_42 : i1 to i32
    %cond3A_44 = arith.constant 0 : i32
    %cond3A_45 = arith.cmpi ne, %convert_element_type3A_43, %cond3A_44 : i32
    scf.if %cond3A_45 {
      "tpu.region"() ({
        %run_scoped3A = tpu.sem_alloc : memref<!tpu.dma_semaphore, #tpu.memory_space<semaphore_mem>>
        %dma_start3A_46 = arith.constant 9984 : i32
        %dma_start3A_47 = arith.constant 0 : i32
        %dma_start3A_48 = tpu.memref_slice %arg5[%arg0, %dma_start3A_46, %dma_start3A_47] : memref<2x10000x128xf32, #tpu.memory_space<hbm>> -> memref<1x16x128xf32, #tpu.memory_space<hbm>>
        %dma_start3A_49 = tpu.memref_squeeze %dma_start3A_48 : memref<1x16x128xf32, #tpu.memory_space<hbm>> -> memref<16x128xf32, #tpu.memory_space<hbm>>
        %dma_start3A_50 = arith.constant 9984 : i32
        %dma_start3A_51 = arith.constant 0 : i32
        %dma_start3A_52 = tpu.memref_slice %arg16[%dma_start3A_50, %dma_start3A_51] : memref<10000x128xf32, #tpu.memory_space<vmem_shared>> -> memref<16x128xf32, #tpu.memory_space<vmem_shared>>
        tpu.enqueue_dma source(%dma_start3A_52 : memref<16x128xf32, #tpu.memory_space<vmem_shared>>) target(%dma_start3A_49 : memref<16x128xf32, #tpu.memory_space<hbm>>) target_semaphore(%run_scoped3A : memref<!tpu.dma_semaphore, #tpu.memory_space<semaphore_mem>>)
        %dma_wait3A = arith.constant 9984 : i32
        %dma_wait3A_53 = arith.constant 0 : i32
        %dma_wait3A_54 = tpu.memref_slice %arg5[%arg0, %dma_wait3A, %dma_wait3A_53] : memref<2x10000x128xf32, #tpu.memory_space<hbm>> -> memref<1x16x128xf32, #tpu.memory_space<hbm>>
        %dma_wait3A_55 = tpu.memref_squeeze %dma_wait3A_54 : memref<1x16x128xf32, #tpu.memory_space<hbm>> -> memref<16x128xf32, #tpu.memory_space<hbm>>
        %dma_wait3A_56 = arith.constant 9984 : i32
        %dma_wait3A_57 = arith.constant 0 : i32
        %dma_wait3A_58 = tpu.memref_slice %arg16[%dma_wait3A_56, %dma_wait3A_57] : memref<10000x128xf32, #tpu.memory_space<vmem_shared>> -> memref<16x128xf32, #tpu.memory_space<vmem_shared>>
        tpu.wait_dma2 semaphore(%run_scoped3A : memref<!tpu.dma_semaphore, #tpu.memory_space<semaphore_mem>>) src(%dma_wait3A_58 : memref<16x128xf32, #tpu.memory_space<vmem_shared>>) dst(%dma_wait3A_55 : memref<16x128xf32, #tpu.memory_space<hbm>>)
        tpu.yield
      }) : () -> ()
    } else {
    }
    return
  }
}

module attributes {stable_mosaic.version = 14 : i64} {
  func.func @_combine_body(%arg0: i32, %arg1: memref<2x5000x128xf32, #tpu.memory_space<vmem>>, %arg2: memref<5000x128xf32, #tpu.memory_space<vmem>>) attributes {dimension_semantics = [#tpu.dimension_semantics<arbitrary>], iteration_bounds = array<i64: 2>, scalar_prefetch = 0 : i64, scratch_operands = 0 : i64, tpu.core_type = #tpu.core_type<tc>, window_params = [{transform_indices = @transform_0, window_bounds = array<i64: 2, 5000, 128>}, {transform_indices = @transform_1, window_bounds = array<i64: 5000, 128>}]} {
    %get3A = arith.constant 0 : index
    %get3A_0 = arith.constant 0 : index
    %get3A_1 = arith.constant 0 : index
    %get3A_2 = vector.load %arg1[%get3A, %get3A_0, %get3A_1] : memref<2x5000x128xf32, #tpu.memory_space<vmem>>, vector<1x5000x128xf32>
    %get3A_3 = vector.shape_cast %get3A_2 : vector<1x5000x128xf32> to vector<5000x128xf32>
    %get3A_4 = arith.constant 1 : index
    %get3A_5 = arith.constant 0 : index
    %get3A_6 = arith.constant 0 : index
    %get3A_7 = vector.load %arg1[%get3A_4, %get3A_5, %get3A_6] : memref<2x5000x128xf32, #tpu.memory_space<vmem>>, vector<1x5000x128xf32>
    %get3A_8 = vector.shape_cast %get3A_7 : vector<1x5000x128xf32> to vector<5000x128xf32>
    %add3A = arith.addf %get3A_3, %get3A_8 : vector<5000x128xf32>
    %swap3A = arith.constant 0 : index
    %swap3A_9 = arith.constant 0 : index
    %swap3A_10 = vector.load %arg2[%swap3A, %swap3A_9] : memref<5000x128xf32, #tpu.memory_space<vmem>>, vector<5000x128xf32>
    tpu.vector_store %arg2[%swap3A, %swap3A_9], %add3A {strides = array<i32>} : memref<5000x128xf32, #tpu.memory_space<vmem>>, vector<5000x128xf32>,
    return
  }
  func.func @transform_0(%arg0: i32) -> (i32, i32, i32) {
    %c0_i32 = arith.constant 0 : i32
    %c0_i32_0 = arith.constant 0 : i32
    %c0_i32_1 = arith.constant 0 : i32
    return %c0_i32, %arg0, %c0_i32_0 : i32, i32, i32
  }
  func.func @transform_1(%arg0: i32) -> (i32, i32) {
    %c0_i32 = arith.constant 0 : i32
    %c0_i32_0 = arith.constant 0 : i32
    return %arg0, %c0_i32 : i32, i32
  }
}

</mosaic_0001>

<sc_bundles>
// kernel: kernel.4.cloned.1.call-start
scs
__scs_entry_jumppad:
0x0: {  	(pc) =	sbr.rel $0x88, $3  }
0x1: {  	(tag) =	ssettag $0x0;
	lr =	simm.s32 $0x1  }
0x2: {  	[smem:$0x3F9E] =	sst lr;
	_ =	strace $0xD0000000  }
0x3: {  	_ = 	snop  }
0x4: {  	_ = 	snop  }
0x5: {  	_ = 	snop  }
0x6: {  	_ = 	snop  }
0x7: {  	_ = 	snop  }
__scs_overlays_trampoline_lowered:
0x8: {  	[smem:$0x3FAD] =	sst s0  }
0x9: {  	[smem:$0x3FAE] =	sst s1  }
0xa: {  	[smem:$0x3FAF] =	sst s2  }
0xb: {  	[smem:$0x3FB0] =	sst s3  }
0xc: {  	[smem:$0x3FB1] =	sst s4  }
0xd: {  	[smem:$0x3FB2] =	sst s5  }
0xe: {  	[smem:$0x3FB3] =	sst s6  }
0xf: {  	[smem:$0x3FB4] =	sst s7  }
0x10: {  	[smem:$0x3FB5] =	sst s8  }
0x11: {  	[smem:$0x3FB6] =	sst s9;
	s0 =	simm.s32 @!p0 $0x0  }
0x12: {  	s1 =	sld [smem:$0x3F9C];
	s0 =	simm.s32 @p0 $0x1  }
0x13: {  	[smem:$0x3FB7] =	sst s0;
	s0 =	simm.s32 @!p1 $0x0  }
0x14: {  	s2 =	sld [smem:$0x3F9B];
	s0 =	simm.s32 @p1 $0x1  }
0x15: {  	[smem:$0x3FB8] =	sst s0;
	s0 =	simm.s32 @!p2 $0x0  }
0x16: {  	s3 =	sld [smem:$0x3FDB];
	s0 =	simm.s32 @p2 $0x1  }
0x17: {  	s4 =	simm.s32 $0x1BF5;
	[smem:$0x3FBA] =	sst s0  }
0x18: {  	s0 =	sld [smem:$0x3F9D];
	_ =	swait.ge [sflag:s4], $0x0  }
0x19: {  	s7 =	sld [smem:$0x3F9E]  }
0x1a: {  	s8 =	sadd.s32 $0xFFFFE003, lr  }
0x1b: {  	s9 =	sadd.s32 $0xFFFFFEF7, lr;
	s5 =	simm.s32 $0xFFFFFFFF;
	p2 =	slt.u32 s8, $0xFFFFF086  }
0x1c: {  	p1 =	slt.u32 s9, $0xF7A;
	s5 =	simm.s32 @!p2 $0x0  }
0x1d: {  	s5 =	simm.s32 @p1 $0x1;
	p0 =	seq.s32 s7, s2  }
0x1e: {  	s7 =	smul.u32 @!p0 $0xF7A, s2;
	p2 =	seq.s32 @!p0 s5, $0x0  }
0x1f: {  	s9 =	smul.u32 $0xF7A, s1;
	s8 =	simm.s32 @!p0 $0x1BF5;
	p2 =	por !p2, p0  }
0x20: {  	[sflag:s8] =	ssyncset.s32 @!p0 $0xFFFFF086;
	s6 =	sadd.s32 @!p0 s3, s7;
	s7 =	simm.s32 @!p0 $0x108  }
0x21: {  	s3 =	sadd.s32 s3, s9;
	s6 =	sadd.s32 @!p0 $0x88, s6;
	s7 =	simm.s32 @p2 $0x1082  }
0x22: {  	[simem:s7], [sflag:s8] =	dma.local @!p0 [hbm:s6], $0xF7A  }
0x23: {  	s9 =	sor.u32 $0xD0000000, s2;
	s6 =	simm.s32 $0x108;
	_ =	swait.ge @!p0 [sflag:s8], $0x0  }
0x24: {  	s3 =	sadd.s32 $0x88, s3;
	s6 =	simm.s32 @!p1 $0x1082;
	[sflag:s4] =	ssyncset.s32 $0xFFFFF086  }
0x25: {  	[simem:s6], [sflag:s4] =	dma.local [hbm:s3], $0xF7A  }
0x26: {  	[smem:$0x3F9E] =	sst s1;
	(tag) =	ssettag s2;
	_ =	strace s9  }
0x27: {  	s1 =	sld [smem:$0x3FAE]  }
0x28: {  	s2 =	sld [smem:$0x3FAF]  }
0x29: {  	s4 =	sld [smem:$0x3FB1]  }
0x2a: {  	p0 =	seq.s32 s5, $0x0;
	s5 =	sld [smem:$0x3FB2]  }
0x2b: {  	s6 =	sld [smem:$0x3FB3]  }
0x2c: {  	s7 =	sld [smem:$0x3FB4]  }
0x2d: {  	s3 =	simm.s32 $0x108;
	s8 =	sld [smem:$0x3FB5]  }
0x2e: {  	s3 =	simm.s32 @!p0 $0x1082;
	s9 =	sld [smem:$0x3FB6]  }
0x2f: {  	lr =	sadd.s32 s0, s3;
	s0 =	sld [smem:$0x3FAD]  }
0x30: {  	s3 =	sld [smem:$0x3FB0]  }
0x31: {  	[smem:$0x3FB9] =	sst s10  }
0x32: {  	s10 =	sld [smem:$0x3FB7];
	_ =	sdelay $0x3  }
0x33: {  	p0 =	seq.s32 s10, $0x1;
	s10 =	sld [smem:$0x3FB9];
	_ =	sdelay $0x3  }
0x34: {  	[smem:$0x3FB9] =	sst s10  }
0x35: {  	s10 =	sld [smem:$0x3FB8];
	_ =	sdelay $0x3  }
0x36: {  	p1 =	seq.s32 s10, $0x1;
	s10 =	sld [smem:$0x3FB9];
	_ =	sdelay $0x3  }
0x37: {  	[smem:$0x3FB9] =	sst s10  }
0x38: {  	s10 =	sld [smem:$0x3FBA]  }
0x39: {  	_ = 	snop;
	(pc) =	sbr.ind lr, $3  }
0x3a: {  	_ = 	snop  }
0x3b: {  	_ = 	snop  }
0x3c: {  	p2 =	seq.s32 s10, $0x1;
	s10 =	sld [smem:$0x3FB9]  }
0x3d: {  	_ =	shalt  }
0x3e: {  	_ =	shalt  }
0x3f: {  	_ =	shalt  }
0x40: {  	_ =	shalt  }
0x41: {  	_ =	shalt  }
0x42: {  	_ =	shalt  }
0x43: {  	_ =	shalt  }
0x44: {  	_ =	shalt  }
0x45: {  	_ =	shalt  }
0x46: {  	_ =	shalt  }
0x47: {  	_ =	shalt  }
0x48: {  	_ =	shalt  }
0x49: {  	_ =	shalt  }
0x4a: {  	_ =	shalt  }
0x4b: {  	_ =	shalt  }
0x4c: {  	_ =	shalt  }
0x4d: {  	_ =	shalt  }
0x4e: {  	_ =	shalt  }
0x4f: {  	_ =	shalt  }
0x50: {  	_ =	shalt  }
0x51: {  	_ =	shalt  }
0x52: {  	_ =	shalt  }
0x53: {  	_ =	shalt  }
0x54: {  	_ =	shalt  }
0x55: {  	_ =	shalt  }
0x56: {  	_ =	shalt  }
0x57: {  	_ =	shalt  }
0x58: {  	_ =	shalt  }
0x59: {  	_ =	shalt  }
0x5a: {  	_ =	shalt  }
0x5b: {  	_ =	shalt  }
0x5c: {  	_ =	shalt  }
0x5d: {  	_ =	shalt  }
0x5e: {  	_ =	shalt  }
0x5f: {  	_ =	shalt  }
0x60: {  	_ =	shalt  }
0x61: {  	_ =	shalt  }
0x62: {  	_ =	shalt  }
0x63: {  	_ =	shalt  }
0x64: {  	_ =	shalt  }
0x65: {  	_ =	shalt  }
0x66: {  	_ =	shalt  }
0x67: {  	_ =	shalt  }
0x68: {  	_ =	shalt  }
0x69: {  	_ =	shalt  }
0x6a: {  	_ =	shalt  }
0x6b: {  	_ =	shalt  }
0x6c: {  	_ =	shalt  }
0x6d: {  	_ =	shalt  }
0x6e: {  	_ =	shalt  }
0x6f: {  	_ =	shalt  }
0x70: {  	_ =	shalt  }
0x71: {  	_ =	shalt  }
0x72: {  	_ =	shalt  }
0x73: {  	_ =	shalt  }
0x74: {  	_ =	shalt  }
0x75: {  	_ =	shalt  }
0x76: {  	_ =	shalt  }
0x77: {  	_ =	shalt  }
0x78: {  	_ =	shalt  }
0x79: {  	_ =	shalt  }
0x7a: {  	_ =	shalt  }
0x7b: {  	_ =	shalt  }
0x7c: {  	_ =	shalt  }
0x7d: {  	_ =	shalt  }
0x7e: {  	_ =	shalt  }
0x7f: {  	_ =	shalt  }
0x80: {  	_ =	shalt  }
0x81: {  	_ =	shalt  }
0x82: {  	_ =	shalt  }
0x83: {  	_ =	shalt  }
0x84: {  	_ =	shalt  }
0x85: {  	_ =	shalt  }
0x86: {  	_ =	shalt  }
0x87: {  	_ =	shalt  }
.Lfunc_end0:
.L_simem_size_0:
called_computation_lowered:
.L_overlay_start_0:
0x88: {  	s2 =	sld [smem:$0x3FD9]  }
0x89: {  	s3 =	sld [smem:$0x3FFE];
	_ =	sdelay $0x1  }
0x8a: {  	s1 =	srdreg.scid  }
0x8b: {  	s0 =	sand.u32 $0x1, s1  }
0x8c: {  	s17 =	sshll.u32 s0, $0xA;
	s2 =	sadd.s32 s3, s2  }
0x8d: {  	s2 =	sadd.s32 s2, s17  }
0x8e: {  	[smem:$0x3FC5] =	sst s2  }
0x8f: {  	_ = 	snop  }
0x90: {  	s2 =	sld [smem:$0x3FC9]  }
0x91: {  	s18 =	sld [smem:$0x3FC8]  }
0x92: {  	s4 =	sld [smem:$0x3FC7];
	(tm) =	ssettm $0x1  }
0x93: {  	s5 =	sld [smem:$0x3FFB];
	_ =	sdelay $0x3  }
0x94: {  	_ =	strace s5  }
0x95: {  	s5 =	sld [smem:$0x3FFC];
	_ =	sdelay $0x3  }
0x96: {  	_ =	strace s5  }
0x97: {  	s5 =	sld [smem:$0x3FFD];
	_ =	sdelay $0x3  }
0x98: {  	_ =	strace s5  }
0x99: {  	_ =	strace $0x8FFFFFFF  }
0x9a: {  	s19 =	sld [smem:$0x3FDB];
	_ =	sdelay $0x1  }
0x9b: {  	s6 =	simm.s32 $_scs_section_size  }
0x9c: {  	s7 =	simm.s32 $_size__tile_overlayer_lowered;
	s8 =	simm.s32 $_tile_overlayer_lowered  }
0x9d: {  	s22 =	simm.s32 $0x1BFF;
	s21 =	sshll.u32 s8, $0x1;
	s5 =	sadd.s32 s6, s19  }
0x9e: {  	s9 =	simm.s32 $0x0;
	s20 =	sshll.u32 s7, $0x1;
	s7 =	sadd.s32 s21, s5  }
0x9f: {  	[timem:s9], [sflag:s22] =	dma.local [hbm:s7], s20  }
0xa0: {  	_ =	swait.ge [sflag:s22], s20  }
0xa1: {  	s6 =	ssub.s32 $0x0, s20;
	[sflag:s22] =	ssyncset.done $0x0  }
0xa2: {  	[sflag:s22] =	ssyncadd.s32 s6;
	_ =	sdelay $0x1  }
0xa3: {  	s23 =	simm.s32 $0x1B8B  }
0xa4: {  	_ =	swait.ge [sflag:s23], $0x1  }
0xa5: {  	[sflag:s23] =	ssyncset.done $0x0  }
0xa6: {  	s25 =	simm.s32 $0x1B8E;
	s24 =	sld [smem:$0x3FFE];
	[sflag:s23] =	ssyncadd.s32 $0xFFFFFFFF  }
0xa7: {  	s26 =	simm.s32 $execute0_lowered;
	[smem:$0x3FD2] =	sst s25  }
0xa8: {  	s7 =	sshll.u32 s26, $0x1;
	_ =	strace $0x80000046;
	[dreg:$0x1] =	wrdreg $0xFFFFFFFF  }
0xa9: {  	s28 =	simm.s32 $_size_execute0_lowered;
	s5 =	sadd.s32 s5, s7;
	[dreg:$0x0] =	wrdreg $0x0  }
0xaa: {  	s7 =	sshll.u32 s28, $0x1;
	[dreg:$0x2] =	wrdreg s5  }
0xab: {  	[dreg:$0x3] =	wrdreg s7  }
0xac: {  	[dreg:$0x4] =	wrdreg $0xC0  }
0xad: {  	_ =	task [dreg:s9], $0x5FFFF  }
0xae: {  	[dreg:$0x1] =	wrdreg $0xFFFFFFFF  }
0xaf: {  	[dreg:$0x0] =	wrdreg $0x60  }
0xb0: {  	[dreg:$0x2] =	wrdreg s18  }
0xb1: {  	[dreg:$0x3] =	wrdreg s4  }
0xb2: {  	[dreg:$0x4] =	wrdreg s2  }
0xb3: {  	[dreg:$0x5] =	wrdreg s24  }
0xb4: {  	[dreg:$0x6] =	wrdreg $0xC1800  }
0xb5: {  	[dreg:$0x7] =	wrdreg $0x9  }
0xb6: {  	_ =	task.clear_ibuf [dreg:s9], $0x8FFFF;
	_ =	strace $0x90000046  }
0xb7: {  	s29 =	simm.s32 $0x9;
	_ =	strace $0x80000048  }
0xb8: {  	_ =	swait.ge [sflag:s29], $0x1  }
0xb9: {  	[sflag:s29] =	ssyncadd.s32 $0xFFFFFFFF  }
0xba: {  	_ =	strace $0x90000048  }
0xbb: {  	_ =	sfence  }
0xbc: {  	s30 =	sld [smem:$0x0];
	_ =	sdelay $0x2  }
0xbd: {  	s31 =	sshll.u32 s1, $0xD;
	s1 =	sshrl.u32 s1, $0x2  }
0xbe: {  	s3 =	sand.u32 $0x4000, s31;
	s1 =	sadd.s32 s1, s30  }
0xbf: {  	s0 =	sor.u32 s3, s0;
	s1 =	sshll.u32 s1, $0x11  }
0xc0: {  	s0 =	sor.u32 s1, s0  }
0xc1: {  	s0 =	sadd.s32 $0x8F2B, s0  }
0xc2: {  	[sflag:s0] =	ssyncadd.remote.s32 $0x1  }
0xc3: {  	_ =	sfence.sel $0xFFFF  }
0xc4: {  	[dreg:$0x0] =	wrdreg $0xFFFFFFFF;
	(pc) =	sbr.abs _section_cstart, $3  }
0xc5: {  	[dreg:$0x1] =	wrdreg $0xFFFFFFFF  }
0xc6: {  	_ =	task.clear_ibuf [dreg:s9], $0x2FFFF;
	_ =	strace $0x9FFFFFFF  }
0xc7: {  	(tm) =	ssettm $0x7FFFFFFF  }
tec
execute0_lowered:
.L_overlay_start_1:
0x0: {  	(tag) =	ssettag $0x1  }
0x1: {  	s0 =	rddreg [dreg:$0x0]  }
0x2: {  	s1 =	rddreg [dreg:$0x1]  }
0x3: {  	s2 =	rddreg [dreg:$0x2]  }
0x4: {  	s5 =	rddreg [dreg:$0x3]  }
0x5: {  	s4 =	srdreg.scid;
	s22 =	stileid.u32  }
0x6: {  	s3 =	rddreg [dreg:$0x4];
	s28 =	simm.s32 $0x4180;
	s29 =	simm.s32 $0x8180  }
0x7: {  	s30 =	simm.s32 $0x5;
	s31 =	simm.s32 $0x1;
	s24 =	smul.u32 $0x4E000, s22  }
0x8: {  	s6 =	sand.u32 $0x1, s4;
	s7 =	sshll.u32 s22, $0x1;
	s13 =	smul.u32 $0x2700, s22  }
0x9: {  	s4 =	simm.s32 $0x0;
	s5 =	sadd.s32 $0x600, s5;
	s19 =	smul.u32 $0x13800, s22  }
0xa: {  	p1 =	sne.s32 s22, $0xF;
	s7 =	sor.u32 s6, s7;
	[smem:$0x7FF] =	sst s4  }
0xb: {  	s8 =	ssub.s32 $0x2, s6;
	p0 =	seq.s32 s6, $0x1;
	s17 =	smul.u32 $0x138800, s6  }
0xc: {  	s10 =	smul.u32 $0x2710, s7;
	_ =	strace $0x80000047;
	s9 =	sshrl.u32 s8, $0x1  }
0xd: {  	s7 =	smul.u32 $0x27100, s7;
	s16 =	sadd.s32 s2, s13;
	s2 =	sadd.s32 $0x27000, s2  }
0xe: {  	s12 =	ssub.s32 s8, s9;
	s9 =	sshrl.u32 s24, $0x2;
	[dreg:$0xa] =	wrdreg s16  }
0xf: {  	[dreg:$0xb] =	wrdreg s2;
	s13 =	sadd.s32 s19, s17;
	s2 =	sshrl.u32 s17, $0x3  }
0x10: {  	s11 =	sshrl.u32 s10, $0x3;
	s7 =	sadd.s32 s0, s7;
	s23 =	sadd.s32 $0x80, s10  }
0x11: {  	s9 =	sadd.s32 s9, s3;
	s10 =	sadd.s32 $0x2700, s10;
	s13 =	sshrl.u32 s13, $0x3  }
0x12: {  	s2 =	sadd.s32 s5, s2;
	s21 =	sadd.s32 s1, s11;
	[dreg:$0x7] =	wrdreg s7  }
0x13: {  	s25 =	sshrl.u32 s23, $0x3;
	s26 =	sshll.u32 s23, $0x4;
	s11 =	sadd.s32 $0x138000, s3  }
0x14: {  	s18 =	sadd.s32 $0x4000, s9;
	s20 =	sadd.s32 $0x8000, s9;
	[dreg:$0x6] =	wrdreg s21  }
0x15: {  	s16 =	sadd.s32 s5, s13;
	s23 =	smul.u32 $0x2710, s6;
	[dreg:$0xc] =	wrdreg s18  }
0x16: {  	s6 =	smul.u32 $0x27100, s6;
	s24 =	sadd.s32 $0x10000, s9;
	[dreg:$0xd] =	wrdreg s20  }
0x17: {  	s13 =	simm.s32 $0x100;
	s14 =	sadd.s32 s1, s25;
	[dreg:$0xf] =	wrdreg s24  }
0x18: {  	s15 =	sadd.s32 s0, s26;
	s21 =	sadd.s32 $0xC000, s9;
	[dreg:$0x8] =	wrdreg s14  }
0x19: {  	s18 =	smul.u32 $0x4E20, s22;
	s20 =	sadd.s32 $0x27000, s2;
	[dreg:$0x9] =	wrdreg s15  }
0x1a: {  	s2 =	simm.s32 $0x3;
	[dreg:$0xe] =	wrdreg s21;
	s14 =	sshrl.u32 s10, $0x3  }
0x1b: {  	s10 =	sshll.u32 s10, $0x4;
	s15 =	smul.u32 $0x4E200, s22;
	s21 =	smax.u32 s12, $0x1  }
0x1c: {  	s12 =	simm.s32 $0x4;
	s17 =	sadd.s32 s0, s10;
	s19 =	sadd.s32 s1, s14  }
0x1d: {  	s5 =	sadd.s32 s23, s18;
	s10 =	simm.s32 $0x2;
	s0 =	sadd.s32 s15, s0  }
0x1e: {  	s25 =	sadd.s32 $0x180, s5;
	s24 =	sadd.s32 $0x100, s5;
	s15 =	simm.s32 $0x0  }
0x1f: {  	s0 =	sadd.s32 s6, s0;
	s26 =	sshrl.u32 s25, $0x3;
	s25 =	simm.s32 $0x180  }
0x20: {  	v0 =	vimm.f32 $0.0e+00;
	s6 =	sadd.s32 $0x1800, s0;
	s23 =	sadd.s32 s26, s1;
	s26 =	simm.s32 $0x80  }
.LBB2_1:
0x21: {  	s0 =	rddreg [dreg:$0x6]  }
0x22: {  	[tilespmem:s4], [sflag:$0x1] =	stream.linear.gather [hbm4b:s0+s4], $0x80, $0x38;
	[tilespmem:$0x1FA00] =	vst v63  }
0x23: {  	s14 =	rddreg [dreg:$0x7]  }
0x24: {  	[tilespmem:s25], [sflag:$0x1] =	stream.linear.gather [hbm4b:s14+s4], $0x4000, $0x38;
	[tilespmem:$0x1FA00] =	vst v63  }
.Ltmp0:
0x25: {  	_ = 	snop;
	(pc) =	sbr.rel @!p0 .LBB2_2-.Ltmp0, $4  }
0x26: {  	s18 =	rddreg [dreg:$0x8]  }
0x27: {  	[tilespmem:s26], [sflag:$0x2] =	stream.linear.gather [hbm4b:s18+s4], $0x80, $0x38;
	[tilespmem:$0x1FA00] =	vst v63  }
0x28: {  	s22 =	rddreg [dreg:$0x9];
	s18 =	sshrl.u32 @!p1 s11, $0x3  }
0x29: {  	[tilespmem:s28], [sflag:$0x2] =	stream.linear.gather [hbm4b:s22+s4], $0x4000, $0x38;
	[tilespmem:$0x1FA00] =	vst v63  }
0x2a: {  	s0 =	sshra.s32 s4, $0x2;
	s5 =	sadd.s32 $0x200, s4  }
.LBB2_4:
0x2b: {  	p2 =	sne.s32 s5, $0xFE00;
	[tilespmem:s0+$0x81F0] =	vst v0  }
0x2c: {  	[tilespmem:s0+$0x8180] =	vst v0  }
0x2d: {  	[tilespmem:s0+$0x8190] =	vst v0  }
.Ltmp1:
0x2e: {  	[tilespmem:s0+$0x81A0] =	vst v0;
	(pc) =	sbr.rel @p2 .LBB2_4-.Ltmp1, $4  }
0x2f: {  	[tilespmem:s0+$0x81B0] =	vst v0  }
0x30: {  	[tilespmem:s0+$0x81C0] =	vst v0  }
0x31: {  	[tilespmem:s0+$0x81D0] =	vst v0  }
0x32: {  	[tilespmem:s0+$0x81E0] =	vst v0;
	s0 =	sshra.s32 s5, $0x2;
	s5 =	sadd.s32 $0x200, s5  }
0x33: {  	[tilespmem:s0+$0x81F0] =	vst v0  }
0x34: {  	[tilespmem:s0+$0x8180] =	vst v0  }
0x35: {  	[tilespmem:s0+$0x8190] =	vst v0  }
0x36: {  	[tilespmem:s0+$0x81A0] =	vst v0  }
0x37: {  	[tilespmem:s0+$0x81B0] =	vst v0  }
0x38: {  	[tilespmem:s0+$0x81C0] =	vst v0  }
0x39: {  	[tilespmem:s0+$0x81D0] =	vst v0  }
0x3a: {  	[tilespmem:s0+$0x81E0] =	vst v0  }
0x3b: {  	[spmem:s9] =	stream.linear.scatter [tilespmem:s29], [sflag:$0x5], $0x4000, $0x38;
	[tilespmem:$0x1FA00] =	vst v63  }
0x3c: {  	_ =	swait.ge [sflag:s30], $0x4000  }
0x3d: {  	[sflag:s30] =	ssyncset.done $0x0  }
0x3e: {  	s7 =	rddreg [dreg:$0xc];
	[sflag:s30] =	ssyncadd.s32 $0xFFFFC000  }
0x3f: {  	[spmem:s7] =	stream.linear.scatter [tilespmem:s29], [sflag:$0x5], $0x4000, $0x38;
	[tilespmem:$0x1FA00] =	vst v63  }
0x40: {  	_ =	swait.ge [sflag:s30], $0x4000  }
0x41: {  	[sflag:s30] =	ssyncset.done $0x0  }
0x42: {  	s8 =	rddreg [dreg:$0xd];
	[sflag:s30] =	ssyncadd.s32 $0xFFFFC000  }
0x43: {  	[spmem:s8] =	stream.linear.scatter [tilespmem:s29], [sflag:$0x5], $0x4000, $0x38;
	[tilespmem:$0x1FA00] =	vst v63  }
0x44: {  	_ =	swait.ge [sflag:s30], $0x4000  }
0x45: {  	[sflag:s30] =	ssyncset.done $0x0  }
0x46: {  	s14 =	rddreg [dreg:$0xe];
	[sflag:s30] =	ssyncadd.s32 $0xFFFFC000  }
0x47: {  	[spmem:s14] =	stream.linear.scatter [tilespmem:s29], [sflag:$0x5], $0x4000, $0x38;
	[tilespmem:$0x1FA00] =	vst v63  }
0x48: {  	_ =	swait.ge [sflag:s30], $0x4000  }
0x49: {  	[sflag:s30] =	ssyncset.done $0x0  }
0x4a: {  	s22 =	rddreg [dreg:$0xf];
	[sflag:s30] =	ssyncadd.s32 $0xFFFFC000  }
0x4b: {  	[spmem:s22] =	stream.linear.scatter [tilespmem:s29], [sflag:$0x5], $0x3800, $0x38;
	[tilespmem:$0x1FA00] =	vst v63  }
0x4c: {  	_ =	swait.ge [sflag:s30], $0x3800  }
0x4d: {  	[sflag:s30] =	ssyncset.done $0x0  }
0x4e: {  	s0 =	simm.s32 @!p1 $0x8180;
	[sflag:s30] =	ssyncadd.s32 $0xFFFFC800  }
0x4f: {  	[spmem:s11] =	stream.linear.scatter @!p1 [tilespmem:s0], [sflag:$0x5], $0x800, $0x38;
	[tilespmem:$0x1FA00] =	vst v63  }
.Ltmp2:
0x50: {  	_ = 	snop;
	(pc) =	sbr.rel .LBB2_6-.Ltmp2, $4  }
0x51: {  	s0 =	simm.s32 @!p1 $0x5  }
0x52: {  	_ =	swait.ge @!p1 [sflag:s0], $0x800  }
0x53: {  	[sflag:s0] =	ssyncset.done @!p1 $0x0  }
0x54: {  	[sflag:s0] =	ssyncadd.s32 @!p1 $0xFFFFF800  }
.LBB2_2:
0x55: {  	s0 =	stileid.u32  }
0x56: {  	s0 =	sshll.u32 s0, $0x6  }
0x57: {  	s5 =	sshrl.u32 s9, $0x3;
	s7 =	rddreg [dreg:$0xa];
	s0 =	sor.u32 $0x1C05, s0  }
0x58: {  	[spmem:s5], [sflag:s0] =	dma.local [hbm:s7], $0x2700  }
0x59: {  	_ =	swait.ge [sflag:s30], $0x2700  }
0x5a: {  	[sflag:s30] =	ssyncset.done $0x0  }
0x5b: {  	s5 =	rddreg [dreg:$0xb];
	[sflag:s30] =	ssyncadd.s32 $0xFFFFD900  }
0x5c: {  	[spmem:s18], [sflag:s0] =	dma.local @!p1 [hbm:s5], $0x100  }
0x5d: {  	s0 =	simm.s32 @!p1 $0x5  }
0x5e: {  	_ =	swait.ge @!p1 [sflag:s0], $0x100  }
0x5f: {  	[sflag:s0] =	ssyncset.done @!p1 $0x0  }
0x60: {  	[sflag:s0] =	ssyncadd.s32 @!p1 $0xFFFFFF00  }
.LBB2_6:
0x61: {  	[bflag:$0x0] =	sbarrier.arrive $0xFFFF  }
0x62: {  	_ =	swait.ge [sflag:s31], $0x80  }
0x63: {  	[sflag:s31] =	ssyncset.done $0x0  }
0x64: {  	[sflag:s31] =	ssyncadd.s32 $0xFFFFFF80  }
0x65: {  	_ =	swait.ge [sflag:s31], $0x4000  }
0x66: {  	[sflag:s31] =	ssyncset.done $0x0  }
0x67: {  	[sflag:s31] =	ssyncadd.s32 $0xFFFFC000  }
0x68: {  	[spmem:s3] =	stream.indirect.scatter.add.f32 [tilespmem:s25], [sflag:$0x3], $0x80, s4, s26, $0xb8;
	[tilespmem:$0x1FA00] =	vst v63  }
0x69: {  	_ =	swait.ge [sflag:s2], $0x4000  }
0x6a: {  	s0 =	sshrl.u32 s24, $0x3;
	[sflag:s2] =	ssyncset.done $0x0  }
0x6b: {  	s0 =	sadd.s32 s1, s0;
	[sflag:s2] =	ssyncadd.s32 $0xFFFFC000  }
0x6c: {  	[tilespmem:s4], [sflag:$0x1] =	stream.linear.gather [hbm4b:s0+s4], $0x80, $0x38;
	[tilespmem:$0x1FA00] =	vst v63  }
0x6d: {  	s14 =	sadd.s32 $0xFFFFF800, s6  }
0x6e: {  	[tilespmem:s25], [sflag:$0x1] =	stream.linear.gather [hbm4b:s14+s4], $0x4000, $0x38;
	[tilespmem:$0x1FA00] =	vst v63  }
0x6f: {  	_ =	swait.ge [sflag:s10], $0x80  }
0x70: {  	[sflag:s10] =	ssyncset.done $0x0  }
0x71: {  	[sflag:s10] =	ssyncadd.s32 $0xFFFFFF80  }
0x72: {  	_ =	swait.ge [sflag:s10], $0x4000  }
0x73: {  	[sflag:s10] =	ssyncset.done $0x0  }
0x74: {  	[sflag:s10] =	ssyncadd.s32 $0xFFFFC000  }
0x75: {  	[spmem:s3] =	stream.indirect.scatter.add.f32 [tilespmem:s28], [sflag:$0x4], $0x80, s26, s26, $0xb8;
	[tilespmem:$0x1FA00] =	vst v63  }
0x76: {  	_ =	swait.ge [sflag:s12], $0x4000  }
0x77: {  	[sflag:s12] =	ssyncset.done $0x0  }
0x78: {  	s22 =	sadd.s32 $0x0, s23;
	s5 =	sadd.s32 $0x100, s24;
	[sflag:s12] =	ssyncadd.s32 $0xFFFFC000  }
0x79: {  	[tilespmem:s26], [sflag:$0x2] =	stream.linear.gather [hbm4b:s22+s4], $0x80, $0x38;
	[tilespmem:$0x1FA00] =	vst v63  }
0x7a: {  	s0 =	sadd.s32 $0x1000, s6;
	s14 =	simm.s32 $0x20;
	s22 =	smov.u32 s6  }
.LBB2_7:
0x7b: {  	[tilespmem:s28], [sflag:$0x2] =	stream.linear.gather [hbm4b:s22+s4], $0x4000, $0x38;
	[tilespmem:$0x1FA00] =	vst v63  }
0x7c: {  	s7 =	smov.u32 s14;
	s22 =	smov.u32 s0  }
0x7d: {  	p2 =	sne.s32 s14, $0x4A0;
	s14 =	sadd.s32 $0x20, s14;
	_ =	swait.ge [sflag:s31], $0x80  }
0x7e: {  	[sflag:s31] =	ssyncset.done $0x0  }
0x7f: {  	[sflag:s31] =	ssyncadd.s32 $0xFFFFFF80  }
0x80: {  	_ =	swait.ge [sflag:s31], $0x4000  }
0x81: {  	[sflag:s31] =	ssyncset.done $0x0  }
0x82: {  	[sflag:s31] =	ssyncadd.s32 $0xFFFFC000  }
0x83: {  	[spmem:s3] =	stream.indirect.scatter.add.f32 [tilespmem:s25], [sflag:$0x3], $0x80, s4, s26, $0xb8;
	[tilespmem:$0x1FA00] =	vst v63  }
0x84: {  	_ =	swait.ge [sflag:s2], $0x4000  }
0x85: {  	s8 =	sshrl.u32 s5, $0x3;
	[sflag:s2] =	ssyncset.done $0x0  }
0x86: {  	s8 =	sadd.s32 s1, s8;
	[sflag:s2] =	ssyncadd.s32 $0xFFFFC000  }
0x87: {  	[tilespmem:s4], [sflag:$0x1] =	stream.linear.gather [hbm4b:s8+s4], $0x80, $0x38;
	[tilespmem:$0x1FA00] =	vst v63  }
0x88: {  	s8 =	sadd.s32 $0xFFFFF800, s0  }
0x89: {  	[tilespmem:s25], [sflag:$0x1] =	stream.linear.gather [hbm4b:s8+s4], $0x4000, $0x38;
	[tilespmem:$0x1FA00] =	vst v63  }
0x8a: {  	_ =	swait.ge [sflag:s10], $0x80  }
0x8b: {  	[sflag:s10] =	ssyncset.done $0x0  }
0x8c: {  	[sflag:s10] =	ssyncadd.s32 $0xFFFFFF80  }
0x8d: {  	_ =	swait.ge [sflag:s10], $0x4000  }
0x8e: {  	[sflag:s10] =	ssyncset.done $0x0  }
0x8f: {  	[sflag:s10] =	ssyncadd.s32 $0xFFFFC000  }
0x90: {  	[spmem:s3] =	stream.indirect.scatter.add.f32 [tilespmem:s28], [sflag:$0x4], $0x80, s26, s26, $0xb8;
	[tilespmem:$0x1FA00] =	vst v63  }
.Ltmp3:
0x91: {  	_ =	swait.ge [sflag:s12], $0x4000;
	(pc) =	sbr.rel @p2 .LBB2_7-.Ltmp3, $4  }
0x92: {  	[sflag:s12] =	ssyncset.done $0x0  }
0x93: {  	s7 =	sadd.s32 s7, s23;
	[sflag:s12] =	ssyncadd.s32 $0xFFFFC000  }
0x94: {  	[tilespmem:s26], [sflag:$0x2] =	stream.linear.gather [hbm4b:s7+s4], $0x80, $0x38;
	[tilespmem:$0x1FA00] =	vst v63  }
0x95: {  	s5 =	sadd.s32 $0x100, s5;
	s0 =	sadd.s32 $0x1000, s0  }
0x96: {  	[tilespmem:s28], [sflag:$0x2] =	stream.linear.gather [hbm4b:s22+s4], $0x4000, $0x38;
	[tilespmem:$0x1FA00] =	vst v63  }
0x97: {  	_ =	swait.ge [sflag:s31], $0x80  }
0x98: {  	[sflag:s31] =	ssyncset.done $0x0  }
0x99: {  	[sflag:s31] =	ssyncadd.s32 $0xFFFFFF80  }
0x9a: {  	_ =	swait.ge [sflag:s31], $0x4000  }
0x9b: {  	[sflag:s31] =	ssyncset.done $0x0  }
0x9c: {  	[sflag:s31] =	ssyncadd.s32 $0xFFFFC000  }
0x9d: {  	[spmem:s3] =	stream.indirect.scatter.add.f32 [tilespmem:s25], [sflag:$0x3], $0x80, s4, s26, $0xb8;
	[tilespmem:$0x1FA00] =	vst v63  }
0x9e: {  	_ =	swait.ge [sflag:s2], $0x4000  }
0x9f: {  	[sflag:s2] =	ssyncset.done $0x0  }
0xa0: {  	[sflag:s2] =	ssyncadd.s32 $0xFFFFC000  }
0xa1: {  	_ =	swait.ge [sflag:s10], $0x80  }
0xa2: {  	[sflag:s10] =	ssyncset.done $0x0  }
0xa3: {  	[sflag:s10] =	ssyncadd.s32 $0xFFFFFF80  }
0xa4: {  	_ =	swait.ge [sflag:s10], $0x4000  }
0xa5: {  	[sflag:s10] =	ssyncset.done $0x0  }
0xa6: {  	[sflag:s10] =	ssyncadd.s32 $0xFFFFC000  }
0xa7: {  	[spmem:s3] =	stream.indirect.scatter.add.f32 [tilespmem:s28], [sflag:$0x4], $0x80, s26, s26, $0xb8;
	[tilespmem:$0x1FA00] =	vst v63  }
0xa8: {  	_ =	swait.ge [sflag:s12], $0x4000  }
0xa9: {  	[sflag:s12] =	ssyncset.done $0x0  }
0xaa: {  	[sflag:s12] =	ssyncadd.s32 $0xFFFFC000  }
0xab: {  	[tilespmem:s13], [sflag:$0x5] =	stream.linear.gather [hbm4b:s19+s4], $0x10, $0x38;
	[tilespmem:$0x1FA00] =	vst v63  }
0xac: {  	_ =	swait.ge [sflag:s30], $0x10  }
0xad: {  	[sflag:s30] =	ssyncset.done $0x0  }
0xae: {  	[sflag:s30] =	ssyncadd.s32 $0xFFFFFFF0  }
0xaf: {  	[tilespmem:s25], [sflag:$0x5] =	stream.linear.gather [hbm4b:s17+s4], $0x800, $0x38;
	[tilespmem:$0x1FA00] =	vst v63  }
0xb0: {  	_ =	swait.ge [sflag:s30], $0x800  }
0xb1: {  	[sflag:s30] =	ssyncset.done $0x0  }
0xb2: {  	s0 =	simm.s32 $0x10;
	[sflag:s30] =	ssyncadd.s32 $0xFFFFF800  }
0xb3: {  	[spmem:s3] =	stream.indirect.scatter.add.f32 [tilespmem:s25], [sflag:$0x5], $0x80, s13, s0, $0xb8;
	[tilespmem:$0x1FA00] =	vst v63  }
0xb4: {  	_ =	swait.ge [sflag:s30], $0x800  }
0xb5: {  	s22 =	stileid.u32;
	[sflag:s30] =	ssyncset.done $0x0  }
0xb6: {  	s0 =	sshll.u32 s22, $0x6;
	[sflag:s30] =	ssyncadd.s32 $0xFFFFF800  }
0xb7: {  	s5 =	sshrl.u32 s9, $0x3;
	s0 =	sor.u32 $0x1C05, s0;
	[bflag:$0x0] =	sbarrier.arrive $0xFFFF  }
0xb8: {  	[hbm:s16], [sflag:s0] =	dma.local [spmem:s5], $0x2700  }
0xb9: {  	_ =	swait.ge [sflag:s30], $0x2700  }
0xba: {  	s15 =	sadd.s32 $0x1, s15;
	[sflag:s30] =	ssyncset.done $0x0  }
0xbb: {  	p2 =	sne.s32 s15, s21;
	[sflag:s30] =	ssyncadd.s32 $0xFFFFD900  }
0xbc: {  	[hbm:s20], [sflag:s0] =	dma.local @!p1 [spmem:s18], $0x100  }
.Ltmp4:
0xbd: {  	_ = 	snop;
	(pc) =	sbr.rel @p2 .LBB2_1-.Ltmp4, $4  }
0xbe: {  	s0 =	simm.s32 @!p1 $0x5  }
0xbf: {  	_ =	swait.ge @!p1 [sflag:s0], $0x100  }
0xc0: {  	[sflag:s0] =	ssyncset.done @!p1 $0x0  }
0xc1: {  	[sflag:s0] =	ssyncadd.s32 @!p1 $0xFFFFFF00  }
0xc2: {  	_ =	sfence.sel $0x180000  }
0xc3: {  	[bflag:$0x0] =	sbarrier.arrive $0xFFFF  }
0xc4: {  	_ =	strace $0x90000047  }
0xc5: {  	s0 =	stileid.u32;
	[bflag:$0x2] =	sbarrier.arrive $0xFFFF  }
0xc6: {  	p0 =	sne.s32 s0, $0x0;
	s0 =	rddreg [dreg:$0x5]  }
0xc7: {  	s0 =	sadd.s32 @!p0 $0x100000, s0  }
0xc8: {  	[sflag:s0] =	ssyncadd.tile.s32 @!p0 $0x1;
	_ =	shalt  }
.Lfunc_end2:
_tile_overlayer_lowered:
.L_overlay_start_2:
0xc9: {  	(tag) =	ssettag $0x2  }
0xca: {  	s0 =	rddreg [dreg:$0x0];
	s2 =	stileid.u32  }
0xcb: {  	s1 =	rddreg [dreg:$0x1];
	p0 =	sne.s32 s2, $0x0  }
0xcc: {  	s3 =	rddreg [dreg:$0x2];
	[bflag:$0x3] =	sbarrier.arrive $0xFFFF;
	s2 =	simm.s32 @!p0 $0x1C05  }
0xcd: {  	[timem:s3], [sflag:s2] =	dma.local @!p0 [hbm:s0], s1  }
0xce: {  	s0 =	simm.s32 @!p0 $0x5  }
0xcf: {  	_ =	swait.ge @!p0 [sflag:s0], s1  }
0xd0: {  	s1 =	ssub.s32 @!p0 $0x0, s1;
	[sflag:s0] =	ssyncset.done @!p0 $0x0  }
0xd1: {  	[sflag:s0] =	ssyncadd.s32 @!p0 s1  }
0xd2: {  	[bflag:$0x3] =	sbarrier.arrive $0xFFFF  }
0xd3: {  	_ =	shalt  }

</sc_bundles>
